<compile_context>
chip_gen: v7x
topology: tpu7x:2x2x1
jax: 0.10.2.dev20260603
libtpu: 0.0.44.dev20260713+nightly
codegen_flags: <defaults>
</compile_context>

<pallas_src>
import functools

import jax
import jax.numpy as jnp
from jax import lax
from jax.experimental import pallas as pl
from jax.experimental.pallas import tpu as pltpu
from jax.experimental.pallas import tpu_sc as plsc

B = 16
MAX_LEN = 4096
TOTAL = B * (MAX_LEN // 2)
FLAT = TOTAL * 4
ROW_W = MAX_LEN * 4
QTR_W = ROW_W // 4
WINQ = 9 * 512
W0Q_MAX = FLAT - WINQ
NU = QTR_W // 16


def _body(xin_hbm, cu_hbm, out_hbm, cu_v, in1_v, in2_v, out_v,
          sem1, sem2, semo):
    cid = lax.axis_index("c")
    sid = lax.axis_index("s")
    t = sid * 2 + cid
    b1 = t // 4
    q1 = lax.rem(t, 4)
    b2 = b1 + 8
    q2 = 3 - q1

    pltpu.sync_copy(cu_hbm, cu_v.at[pl.ds(0, B + 1)])

    lanes = lax.iota(jnp.int32, 16)
    neg1 = jnp.full((16,), -1.0, jnp.float32)

    def job_scalars(b, q):
        s = cu_v[pl.ds(b, 16)][0]
        e = cu_v[pl.ds(b + 1, 16)][0]
        length = e - s
        m = lax.rem(s, 128)
        gq0 = q * 8
        w0 = jnp.minimum((lax.div(s, 128) + gq0) * 512, W0Q_MAX)
        dd = ((lax.div(s, 128) + gq0) - lax.div(w0, 512)) * 512 + m
        lv = jnp.clip(length - q * 1024, 0, 1024)
        i1 = (lv // 128) * 32
        i2 = ((lv + 127) // 128) * 32
        return s, length, m, gq0, w0, dd, i1, i2

    s1, len1, m1, gq01, w01, dd1, i1a, i2a = job_scalars(b1, q1)
    s2, len2, m2, gq02, w02, dd2, i1b, i2b = job_scalars(b2, q2)

    cp1 = pltpu.async_copy(
        xin_hbm.at[pl.ds(w01, WINQ)], in1_v.at[pl.ds(0, WINQ)], sem1)
    cp2 = pltpu.async_copy(
        xin_hbm.at[pl.ds(w02, WINQ)], in2_v.at[pl.ds(0, WINQ)], sem2)

    def make_units(in_ref, dd, m, length, gq0, jobbase):
        def load_unit(i):
            off = i * 16 + dd
            p1 = jnp.minimum(off, WINQ)
            p2 = jnp.minimum(off + 384, WINQ)
            x1 = in_ref[pl.ds(p1, 16)]
            x2 = in_ref[pl.ds(p2, 16)]
            kpos = (i % 8) * 16 + lanes
            return kpos, jnp.where(kpos < 128 - m, x1, x2)

        def unit_full(i, carry=None):
            _, x = load_unit(i)
            out_v[pl.ds(jobbase + i * 16, 16)] = x

        def unit_edge(i, carry=None):
            kpos, x = load_unit(i)
            jvec = (gq0 + i // 32) * 128 + kpos
            out_v[pl.ds(jobbase + i * 16, 16)] = jnp.where(
                jvec < length, x, -1.0)

        def unit_pad(i, carry=None):
            out_v[pl.ds(jobbase + i * 16, 16)] = neg1

        return unit_full, unit_edge, unit_pad

    full1, edge1, pad1 = make_units(in1_v, dd1, m1, len1, gq01, 0)
    full2, edge2, pad2 = make_units(in2_v, dd2, m2, len2, gq02, QTR_W)

    plsc.parallel_loop(i2a, NU, unroll=4)(pad1)
    plsc.parallel_loop(i2b, NU, unroll=4)(pad2)

    cp1.wait()
    plsc.parallel_loop(0, i1a, unroll=4)(full1)
    plsc.parallel_loop(i1a, i2a)(edge1)
    cpo = pltpu.async_copy(
        out_v.at[pl.ds(0, QTR_W)],
        out_hbm.at[pl.ds(b1 * ROW_W + q1 * QTR_W, QTR_W)], semo)

    cp2.wait()
    plsc.parallel_loop(0, i1b, unroll=4)(full2)
    plsc.parallel_loop(i1b, i2b)(edge2)
    pltpu.sync_copy(
        out_v.at[pl.ds(QTR_W, QTR_W)],
        out_hbm.at[pl.ds(b2 * ROW_W + q2 * QTR_W, QTR_W)])
    cpo.wait()


@jax.jit
def _bbox_to_dense(xin, cu):
    mesh = plsc.VectorSubcoreMesh(core_axis_name="c", subcore_axis_name="s")
    run = functools.partial(
        pl.kernel,
        out_type=jax.ShapeDtypeStruct((B * ROW_W,), jnp.float32),
        mesh=mesh,
        scratch_types=[
            pltpu.VMEM((32,), jnp.int32),
            pltpu.VMEM((WINQ + 16,), jnp.float32),
            pltpu.VMEM((WINQ + 16,), jnp.float32),
            pltpu.VMEM((2 * QTR_W,), jnp.float32),
            pltpu.SemaphoreType.DMA,
            pltpu.SemaphoreType.DMA,
            pltpu.SemaphoreType.DMA,
        ],
    )(_body)
    return run(xin, cu)


def kernel(bbox_values, cu_seqlens, keep_ragged):
    xin = bbox_values.reshape(256, 128, 4).transpose(0, 2, 1).reshape(-1)
    out = _bbox_to_dense(xin, cu_seqlens.astype(jnp.int32))
    return out.reshape(B, 32, 4, 128).transpose(0, 1, 3, 2).reshape(B, MAX_LEN, 4)

# --- scband reference (transcript-rebuilt; emitter-appended) ---
"""Pipeline reference for scband-bbox-prep-54417235640383 (READ-ONLY COPY).

The authoritative reference and input builder live on the scoring server;
editing this copy changes nothing except your own understanding.
"""

import jax, jax.numpy as jnp
import numpy as np

B = 16
MAX_LEN = 4096
TOTAL = B * (MAX_LEN // 2)  # 32768 ragged boxes total


def setup_inputs(seed: int = 0) -> dict:
    key = jax.random.key(seed)
    k1, k2 = jax.random.split(key)
    bbox_values = jax.random.uniform(k1, (TOTAL, 4), dtype=jnp.float32)
    # Build row lengths that sum exactly to TOTAL with each length <= MAX_LEN
    half = B // 2
    d = jax.random.randint(k2, (half,), -1024, 1025)
    lengths = jnp.concatenate([2048 + d, 2048 - d]).astype(jnp.int32)
    cu_seqlens = jnp.concatenate([
        jnp.zeros((1,), dtype=jnp.int32),
        jnp.cumsum(lengths).astype(jnp.int32),
    ])
    return {"bbox_values": bbox_values, "cu_seqlens": cu_seqlens, "keep_ragged": 0}


def reference(bbox_values, cu_seqlens, keep_ragged=0):
    # Faithful port of BboxPrep.call on a RaggedTensor represented as
    # (flat values [total, 4], cu_seqlens [B+1]).
    total = bbox_values.shape[0]
    tok = jnp.arange(total)
    # segment id per flat token (which batch row it belongs to)
    seg = jnp.searchsorted(cu_seqlens, tok, side='right') - 1
    # position within its row
    pos = tok - cu_seqlens[seg]
    # RaggedTensor.to_tensor(default_value=-1.0, shape=[B, padded_objects, 4])
    padded = jnp.full((B, MAX_LEN, 4), -1.0, dtype=bbox_values.dtype)
    padded = padded.at[seg, pos].set(bbox_values, mode='drop')
    return padded + jnp.asarray(keep_ragged, dtype=padded.dtype) * jnp.zeros((), dtype=padded.dtype)

if __name__ == "__main__":
    import jax
    _d = setup_inputs()
    print(jax.jit(kernel)(*tuple(_d.values())))

</pallas_src>

<mosaic_0001>
#map = affine_map<(d0, d1) -> (0)>
module attributes {stable_mosaic.version = 14 : i64} {
  func.func @_body(%arg0: i32, %arg1: i32, %arg2: memref<131072xf32, #tpu.memory_space<hbm>>, %arg3: memref<17xi32, #tpu.memory_space<hbm>>, %arg4: memref<262144xf32, #tpu.memory_space<hbm>>, %arg5: memref<32xi32, #tpu.memory_space<vmem>>, %arg6: memref<4624xf32, #tpu.memory_space<vmem>>, %arg7: memref<4624xf32, #tpu.memory_space<vmem>>, %arg8: memref<8192xf32, #tpu.memory_space<vmem>>, %arg9: memref<!tpu.dma_semaphore, #tpu.memory_space<semaphore_mem>>, %arg10: memref<!tpu.dma_semaphore, #tpu.memory_space<semaphore_mem>>, %arg11: memref<!tpu.dma_semaphore, #tpu.memory_space<semaphore_mem>>) attributes {dimension_semantics = [#tpu.dimension_semantics<core_parallel>, #tpu.dimension_semantics<subcore_parallel>], iteration_bounds = array<i64: 2, 16>, scalar_prefetch = 0 : i64, scratch_operands = 7 : i64, tpu.core_type = #tpu.core_type<sc_vector_subcore>, window_params = [{transform_indices = #map}, {transform_indices = #map}, {transform_indices = #map}]} {
    %mul3A = arith.constant 2 : i32
    %mul3A_0 = arith.muli %arg1, %mul3A : i32
    %add3A = arith.addi %mul3A_0, %arg0 : i32
    %jit3A = arith.constant 4 : i32
    %div3A = arith.divsi %add3A, %jit3A : i32
    %sign3A = arith.constant 0 : i32
    %sign3A_1 = arith.cmpi sgt, %add3A, %sign3A : i32
    %sign3A_2 = arith.extui %sign3A_1 : i1 to i32
    %sign3A_3 = arith.constant 0 : i32
    %sign3A_4 = arith.cmpi slt, %add3A, %sign3A_3 : i32
    %sign3A_5 = arith.extui %sign3A_4 : i1 to i32
    %sign3A_6 = arith.subi %sign3A_2, %sign3A_5 : i32
    %sign3A_7 = arith.constant 0 : i32
    %sign3A_8 = arith.cmpi sgt, %jit3A, %sign3A_7 : i32
    %sign3A_9 = arith.extui %sign3A_8 : i1 to i32
    %sign3A_10 = arith.constant 0 : i32
    %sign3A_11 = arith.cmpi slt, %jit3A, %sign3A_10 : i32
    %sign3A_12 = arith.extui %sign3A_11 : i1 to i32
    %sign3A_13 = arith.subi %sign3A_9, %sign3A_12 : i32
    %ne3A = arith.cmpi ne, %sign3A_6, %sign3A_13 : i32
    %rem3A = arith.remsi %add3A, %jit3A : i32
    %ne3A_14 = arith.constant 0 : i32
    %ne3A_15 = arith.cmpi ne, %rem3A, %ne3A_14 : i32
    %and3A = arith.andi %ne3A, %ne3A_15 : i1
    %sub3A = arith.constant 1 : i32
    %sub3A_16 = arith.subi %div3A, %sub3A : i32
    %select_n3A = arith.select %and3A, %sub3A_16, %div3A : i32
    %rem3A_17 = arith.constant 4 : i32
    %rem3A_18 = arith.remsi %add3A, %rem3A_17 : i32
    %add3A_19 = arith.constant 8 : i32
    %add3A_20 = arith.addi %select_n3A, %add3A_19 : i32
    %sub3A_21 = arith.constant 3 : i32
    %sub3A_22 = arith.subi %sub3A_21, %rem3A_18 : i32
    "tpu.region"() ({
      %run_scoped3A = tpu.sem_alloc : memref<!tpu.dma_semaphore, #tpu.memory_space<semaphore_mem>>
      %dma_start3A_260 = arith.constant 0 : i32
      %dma_start3A_261 = tpu.memref_slice %arg5[%dma_start3A_260] : memref<32xi32, #tpu.memory_space<vmem>> -> memref<17xi32, #tpu.memory_space<vmem>>
      %dma_start3A_262 = arith.constant 0 : i32
      %dma_start3A_263 = tpu.memref_slice %arg5[%dma_start3A_262] : memref<32xi32, #tpu.memory_space<vmem>> -> memref<17xi32, #tpu.memory_space<vmem>>
      tpu.enqueue_dma source(%arg3 : memref<17xi32, #tpu.memory_space<hbm>>) target(%dma_start3A_263 : memref<17xi32, #tpu.memory_space<vmem>>) target_semaphore(%run_scoped3A : memref<!tpu.dma_semaphore, #tpu.memory_space<semaphore_mem>>)
      %dma_wait3A_264 = arith.constant 0 : i32
      %dma_wait3A_265 = tpu.memref_slice %arg5[%dma_wait3A_264] : memref<32xi32, #tpu.memory_space<vmem>> -> memref<17xi32, #tpu.memory_space<vmem>>
      %dma_wait3A_266 = arith.constant 0 : i32
      %dma_wait3A_267 = tpu.memref_slice %arg5[%dma_wait3A_266] : memref<32xi32, #tpu.memory_space<vmem>> -> memref<17xi32, #tpu.memory_space<vmem>>
      tpu.wait_dma2 semaphore(%run_scoped3A : memref<!tpu.dma_semaphore, #tpu.memory_space<semaphore_mem>>) src(%arg3 : memref<17xi32, #tpu.memory_space<hbm>>) dst(%dma_wait3A_267 : memref<17xi32, #tpu.memory_space<vmem>>)
      tpu.yield
    }) : () -> ()
    %iota3A = tpu.iota {dimensions = array<i32: 0>} : vector<16xi32>
    %broadcast_in_dim3A = arith.constant -1.000000e+00 : f32
    %broadcast_in_dim3A_23 = vector.broadcast %broadcast_in_dim3A : f32 to vector<16xf32>
    %get3A = arith.index_cast %select_n3A : i32 to index
    %get3A_24 = tpu.vector_load %arg5[%get3A] {strides = array<i32>} : memref<32xi32, #tpu.memory_space<vmem>>, vector<16xi32>,
    %get3A_25 = vector.shape_cast %get3A_24 : vector<16xi32> to vector<16xi32>
    %slice3A = vector.extract_strided_slice %get3A_25 {offsets = [0], sizes = [1], strides = [1]} : vector<16xi32> to vector<1xi32>
    %squeeze3A = vector.extract %slice3A[0] : i32 from vector<1xi32>
    %add3A_26 = arith.constant 1 : i32
    %add3A_27 = arith.addi %select_n3A, %add3A_26 : i32
    %get3A_28 = arith.index_cast %add3A_27 : i32 to index
    %get3A_29 = tpu.vector_load %arg5[%get3A_28] {strides = array<i32>} : memref<32xi32, #tpu.memory_space<vmem>>, vector<16xi32>,
    %get3A_30 = vector.shape_cast %get3A_29 : vector<16xi32> to vector<16xi32>
    %slice3A_31 = vector.extract_strided_slice %get3A_30 {offsets = [0], sizes = [1], strides = [1]} : vector<16xi32> to vector<1xi32>
    %squeeze3A_32 = vector.extract %slice3A_31[0] : i32 from vector<1xi32>
    %sub3A_33 = arith.subi %squeeze3A_32, %squeeze3A : i32
    %rem3A_34 = arith.constant 128 : i32
    %rem3A_35 = arith.remsi %squeeze3A, %rem3A_34 : i32
    %mul3A_36 = arith.constant 8 : i32
    %mul3A_37 = arith.muli %rem3A_18, %mul3A_36 : i32
    %div3A_38 = arith.constant 128 : i32
    %div3A_39 = arith.divsi %squeeze3A, %div3A_38 : i32
    %add3A_40 = arith.addi %div3A_39, %mul3A_37 : i32
    %mul3A_41 = arith.constant 512 : i32
    %mul3A_42 = arith.muli %add3A_40, %mul3A_41 : i32
    %min3A = arith.constant 126464 : i32
    %min3A_43 = arith.minsi %mul3A_42, %min3A : i32
    %div3A_44 = arith.constant 128 : i32
    %div3A_45 = arith.divsi %squeeze3A, %div3A_44 : i32
    %add3A_46 = arith.addi %div3A_45, %mul3A_37 : i32
    %div3A_47 = arith.constant 512 : i32
    %div3A_48 = arith.divsi %min3A_43, %div3A_47 : i32
    %sub3A_49 = arith.subi %add3A_46, %div3A_48 : i32
    %mul3A_50 = arith.constant 512 : i32
    %mul3A_51 = arith.muli %sub3A_49, %mul3A_50 : i32
    %add3A_52 = arith.addi %mul3A_51, %rem3A_35 : i32
    %mul3A_53 = arith.constant 1024 : i32
    %mul3A_54 = arith.muli %rem3A_18, %mul3A_53 : i32
    %sub3A_55 = arith.subi %sub3A_33, %mul3A_54 : i32
    %jit3A_56 = arith.constant 0 : i32
    %jit3A_57 = arith.constant 1024 : i32
    %max3A = arith.maxsi %jit3A_56, %sub3A_55 : i32
    %min3A_58 = arith.minsi %jit3A_57, %max3A : i32
    %jit3A_59 = arith.constant 128 : i32
    %div3A_60 = arith.divsi %min3A_58, %jit3A_59 : i32
    %sign3A_61 = arith.constant 0 : i32
    %sign3A_62 = arith.cmpi sgt, %min3A_58, %sign3A_61 : i32
    %sign3A_63 = arith.extui %sign3A_62 : i1 to i32
    %sign3A_64 = arith.constant 0 : i32
    %sign3A_65 = arith.cmpi slt, %min3A_58, %sign3A_64 : i32
    %sign3A_66 = arith.extui %sign3A_65 : i1 to i32
    %sign3A_67 = arith.subi %sign3A_63, %sign3A_66 : i32
    %sign3A_68 = arith.constant 0 : i32
    %sign3A_69 = arith.cmpi sgt, %jit3A_59, %sign3A_68 : i32
    %sign3A_70 = arith.extui %sign3A_69 : i1 to i32
    %sign3A_71 = arith.constant 0 : i32
    %sign3A_72 = arith.cmpi slt, %jit3A_59, %sign3A_71 : i32
    %sign3A_73 = arith.extui %sign3A_72 : i1 to i32
    %sign3A_74 = arith.subi %sign3A_70, %sign3A_73 : i32
    %ne3A_75 = arith.cmpi ne, %sign3A_67, %sign3A_74 : i32
    %rem3A_76 = arith.remsi %min3A_58, %jit3A_59 : i32
    %ne3A_77 = arith.constant 0 : i32
    %ne3A_78 = arith.cmpi ne, %rem3A_76, %ne3A_77 : i32
    %and3A_79 = arith.andi %ne3A_75, %ne3A_78 : i1
    %sub3A_80 = arith.constant 1 : i32
    %sub3A_81 = arith.subi %div3A_60, %sub3A_80 : i32
    %select_n3A_82 = arith.select %and3A_79, %sub3A_81, %div3A_60 : i32
    %mul3A_83 = arith.constant 32 : i32
    %mul3A_84 = arith.muli %select_n3A_82, %mul3A_83 : i32
    %add3A_85 = arith.constant 127 : i32
    %add3A_86 = arith.addi %min3A_58, %add3A_85 : i32
    %jit3A_87 = arith.constant 128 : i32
    %div3A_88 = arith.divsi %add3A_86, %jit3A_87 : i32
    %sign3A_89 = arith.constant 0 : i32
    %sign3A_90 = arith.cmpi sgt, %add3A_86, %sign3A_89 : i32
    %sign3A_91 = arith.extui %sign3A_90 : i1 to i32
    %sign3A_92 = arith.constant 0 : i32
    %sign3A_93 = arith.cmpi slt, %add3A_86, %sign3A_92 : i32
    %sign3A_94 = arith.extui %sign3A_93 : i1 to i32
    %sign3A_95 = arith.subi %sign3A_91, %sign3A_94 : i32
    %sign3A_96 = arith.constant 0 : i32
    %sign3A_97 = arith.cmpi sgt, %jit3A_87, %sign3A_96 : i32
    %sign3A_98 = arith.extui %sign3A_97 : i1 to i32
    %sign3A_99 = arith.constant 0 : i32
    %sign3A_100 = arith.cmpi slt, %jit3A_87, %sign3A_99 : i32
    %sign3A_101 = arith.extui %sign3A_100 : i1 to i32
    %sign3A_102 = arith.subi %sign3A_98, %sign3A_101 : i32
    %ne3A_103 = arith.cmpi ne, %sign3A_95, %sign3A_102 : i32
    %rem3A_104 = arith.remsi %add3A_86, %jit3A_87 : i32
    %ne3A_105 = arith.constant 0 : i32
    %ne3A_106 = arith.cmpi ne, %rem3A_104, %ne3A_105 : i32
    %and3A_107 = arith.andi %ne3A_103, %ne3A_106 : i1
    %sub3A_108 = arith.constant 1 : i32
    %sub3A_109 = arith.subi %div3A_88, %sub3A_108 : i32
    %select_n3A_110 = arith.select %and3A_107, %sub3A_109, %div3A_88 : i32
    %mul3A_111 = arith.constant 32 : i32
    %mul3A_112 = arith.muli %select_n3A_110, %mul3A_111 : i32
    %get3A_113 = arith.index_cast %add3A_20 : i32 to index
    %get3A_114 = tpu.vector_load %arg5[%get3A_113] {strides = array<i32>} : memref<32xi32, #tpu.memory_space<vmem>>, vector<16xi32>,
    %get3A_115 = vector.shape_cast %get3A_114 : vector<16xi32> to vector<16xi32>
    %slice3A_116 = vector.extract_strided_slice %get3A_115 {offsets = [0], sizes = [1], strides = [1]} : vector<16xi32> to vector<1xi32>
    %squeeze3A_117 = vector.extract %slice3A_116[0] : i32 from vector<1xi32>
    %add3A_118 = arith.constant 1 : i32
    %add3A_119 = arith.addi %add3A_20, %add3A_118 : i32
    %get3A_120 = arith.index_cast %add3A_119 : i32 to index
    %get3A_121 = tpu.vector_load %arg5[%get3A_120] {strides = array<i32>} : memref<32xi32, #tpu.memory_space<vmem>>, vector<16xi32>,
    %get3A_122 = vector.shape_cast %get3A_121 : vector<16xi32> to vector<16xi32>
    %slice3A_123 = vector.extract_strided_slice %get3A_122 {offsets = [0], sizes = [1], strides = [1]} : vector<16xi32> to vector<1xi32>
    %squeeze3A_124 = vector.extract %slice3A_123[0] : i32 from vector<1xi32>
    %sub3A_125 = arith.subi %squeeze3A_124, %squeeze3A_117 : i32
    %rem3A_126 = arith.constant 128 : i32
    %rem3A_127 = arith.remsi %squeeze3A_117, %rem3A_126 : i32
    %mul3A_128 = arith.constant 8 : i32
    %mul3A_129 = arith.muli %sub3A_22, %mul3A_128 : i32
    %div3A_130 = arith.constant 128 : i32
    %div3A_131 = arith.divsi %squeeze3A_117, %div3A_130 : i32
    %add3A_132 = arith.addi %div3A_131, %mul3A_129 : i32
    %mul3A_133 = arith.constant 512 : i32
    %mul3A_134 = arith.muli %add3A_132, %mul3A_133 : i32
    %min3A_135 = arith.constant 126464 : i32
    %min3A_136 = arith.minsi %mul3A_134, %min3A_135 : i32
    %div3A_137 = arith.constant 128 : i32
    %div3A_138 = arith.divsi %squeeze3A_117, %div3A_137 : i32
    %add3A_139 = arith.addi %div3A_138, %mul3A_129 : i32
    %div3A_140 = arith.constant 512 : i32
    %div3A_141 = arith.divsi %min3A_136, %div3A_140 : i32
    %sub3A_142 = arith.subi %add3A_139, %div3A_141 : i32
    %mul3A_143 = arith.constant 512 : i32
    %mul3A_144 = arith.muli %sub3A_142, %mul3A_143 : i32
    %add3A_145 = arith.addi %mul3A_144, %rem3A_127 : i32
    %mul3A_146 = arith.constant 1024 : i32
    %mul3A_147 = arith.muli %sub3A_22, %mul3A_146 : i32
    %sub3A_148 = arith.subi %sub3A_125, %mul3A_147 : i32
    %jit3A_149 = arith.constant 0 : i32
    %jit3A_150 = arith.constant 1024 : i32
    %max3A_151 = arith.maxsi %jit3A_149, %sub3A_148 : i32
    %min3A_152 = arith.minsi %jit3A_150, %max3A_151 : i32
    %jit3A_153 = arith.constant 128 : i32
    %div3A_154 = arith.divsi %min3A_152, %jit3A_153 : i32
    %sign3A_155 = arith.constant 0 : i32
    %sign3A_156 = arith.cmpi sgt, %min3A_152, %sign3A_155 : i32
    %sign3A_157 = arith.extui %sign3A_156 : i1 to i32
    %sign3A_158 = arith.constant 0 : i32
    %sign3A_159 = arith.cmpi slt, %min3A_152, %sign3A_158 : i32
    %sign3A_160 = arith.extui %sign3A_159 : i1 to i32
    %sign3A_161 = arith.subi %sign3A_157, %sign3A_160 : i32
    %sign3A_162 = arith.constant 0 : i32
    %sign3A_163 = arith.cmpi sgt, %jit3A_153, %sign3A_162 : i32
    %sign3A_164 = arith.extui %sign3A_163 : i1 to i32
    %sign3A_165 = arith.constant 0 : i32
    %sign3A_166 = arith.cmpi slt, %jit3A_153, %sign3A_165 : i32
    %sign3A_167 = arith.extui %sign3A_166 : i1 to i32
    %sign3A_168 = arith.subi %sign3A_164, %sign3A_167 : i32
    %ne3A_169 = arith.cmpi ne, %sign3A_161, %sign3A_168 : i32
    %rem3A_170 = arith.remsi %min3A_152, %jit3A_153 : i32
    %ne3A_171 = arith.constant 0 : i32
    %ne3A_172 = arith.cmpi ne, %rem3A_170, %ne3A_171 : i32
    %and3A_173 = arith.andi %ne3A_169, %ne3A_172 : i1
    %sub3A_174 = arith.constant 1 : i32
    %sub3A_175 = arith.subi %div3A_154, %sub3A_174 : i32
    %select_n3A_176 = arith.select %and3A_173, %sub3A_175, %div3A_154 : i32
    %mul3A_177 = arith.constant 32 : i32
    %mul3A_178 = arith.muli %select_n3A_176, %mul3A_177 : i32
    %add3A_179 = arith.constant 127 : i32
    %add3A_180 = arith.addi %min3A_152, %add3A_179 : i32
    %jit3A_181 = arith.constant 128 : i32
    %div3A_182 = arith.divsi %add3A_180, %jit3A_181 : i32
    %sign3A_183 = arith.constant 0 : i32
    %sign3A_184 = arith.cmpi sgt, %add3A_180, %sign3A_183 : i32
    %sign3A_185 = arith.extui %sign3A_184 : i1 to i32
    %sign3A_186 = arith.constant 0 : i32
    %sign3A_187 = arith.cmpi slt, %add3A_180, %sign3A_186 : i32
    %sign3A_188 = arith.extui %sign3A_187 : i1 to i32
    %sign3A_189 = arith.subi %sign3A_185, %sign3A_188 : i32
    %sign3A_190 = arith.constant 0 : i32
    %sign3A_191 = arith.cmpi sgt, %jit3A_181, %sign3A_190 : i32
    %sign3A_192 = arith.extui %sign3A_191 : i1 to i32
    %sign3A_193 = arith.constant 0 : i32
    %sign3A_194 = arith.cmpi slt, %jit3A_181, %sign3A_193 : i32
    %sign3A_195 = arith.extui %sign3A_194 : i1 to i32
    %sign3A_196 = arith.subi %sign3A_192, %sign3A_195 : i32
    %ne3A_197 = arith.cmpi ne, %sign3A_189, %sign3A_196 : i32
    %rem3A_198 = arith.remsi %add3A_180, %jit3A_181 : i32
    %ne3A_199 = arith.constant 0 : i32
    %ne3A_200 = arith.cmpi ne, %rem3A_198, %ne3A_199 : i32
    %and3A_201 = arith.andi %ne3A_197, %ne3A_200 : i1
    %sub3A_202 = arith.constant 1 : i32
    %sub3A_203 = arith.subi %div3A_182, %sub3A_202 : i32
    %select_n3A_204 = arith.select %and3A_201, %sub3A_203, %div3A_182 : i32
    %mul3A_205 = arith.constant 32 : i32
    %mul3A_206 = arith.muli %select_n3A_204, %mul3A_205 : i32
    %dma_start3A = arith.constant 0 : i32
    %dma_start3A_207 = tpu.memref_slice %arg6[%dma_start3A] : memref<4624xf32, #tpu.memory_space<vmem>> -> memref<4608xf32, #tpu.memory_space<vmem>>
    %dma_start3A_208 = tpu.memref_slice %arg2[%min3A_43] : memref<131072xf32, #tpu.memory_space<hbm>> -> memref<4608xf32, #tpu.memory_space<hbm>>
    %dma_start3A_209 = arith.constant 0 : i32
    %dma_start3A_210 = tpu.memref_slice %arg6[%dma_start3A_209] : memref<4624xf32, #tpu.memory_space<vmem>> -> memref<4608xf32, #tpu.memory_space<vmem>>
    %dma_start3A_211 = tpu.memref_slice %arg2[%min3A_43] : memref<131072xf32, #tpu.memory_space<hbm>> -> memref<4608xf32, #tpu.memory_space<hbm>>
    tpu.enqueue_dma source(%dma_start3A_211 : memref<4608xf32, #tpu.memory_space<hbm>>) target(%dma_start3A_210 : memref<4608xf32, #tpu.memory_space<vmem>>) target_semaphore(%arg9 : memref<!tpu.dma_semaphore, #tpu.memory_space<semaphore_mem>>)
    %dma_start3A_212 = arith.constant 0 : i32
    %dma_start3A_213 = tpu.memref_slice %arg7[%dma_start3A_212] : memref<4624xf32, #tpu.memory_space<vmem>> -> memref<4608xf32, #tpu.memory_space<vmem>>
    %dma_start3A_214 = tpu.memref_slice %arg2[%min3A_136] : memref<131072xf32, #tpu.memory_space<hbm>> -> memref<4608xf32, #tpu.memory_space<hbm>>
    %dma_start3A_215 = arith.constant 0 : i32
    %dma_start3A_216 = tpu.memref_slice %arg7[%dma_start3A_215] : memref<4624xf32, #tpu.memory_space<vmem>> -> memref<4608xf32, #tpu.memory_space<vmem>>
    %dma_start3A_217 = tpu.memref_slice %arg2[%min3A_136] : memref<131072xf32, #tpu.memory_space<hbm>> -> memref<4608xf32, #tpu.memory_space<hbm>>
    tpu.enqueue_dma source(%dma_start3A_217 : memref<4608xf32, #tpu.memory_space<hbm>>) target(%dma_start3A_216 : memref<4608xf32, #tpu.memory_space<vmem>>) target_semaphore(%arg10 : memref<!tpu.dma_semaphore, #tpu.memory_space<semaphore_mem>>)
    %parallel_loop3A = arith.constant 256 : i32
    %parallel_loop3A_218 = arith.constant 1 : i32
    scf.for %parallel_loop3A_260 = %mul3A_112 to %parallel_loop3A step %parallel_loop3A_218  : i32 {
      %parallel_loop3A_261 = arith.constant 16 : i32
      %parallel_loop3A_262 = arith.muli %parallel_loop3A_260, %parallel_loop3A_261 : i32
      %parallel_loop3A_263 = arith.constant 0 : i32
      %parallel_loop3A_264 = arith.addi %parallel_loop3A_263, %parallel_loop3A_262 : i32
      %parallel_loop3A_265 = arith.index_cast %parallel_loop3A_264 : i32 to index
      %parallel_loop3A_266 = tpu.vector_load %arg8[%parallel_loop3A_265] {strides = array<i32>} : memref<8192xf32, #tpu.memory_space<vmem>>, vector<16xf32>,
      %parallel_loop3A_267 = vector.shape_cast %parallel_loop3A_266 : vector<16xf32> to vector<16xf32>
      %parallel_loop3A_268 = vector.shape_cast %broadcast_in_dim3A_23 : vector<16xf32> to vector<16xf32>
      tpu.vector_store %arg8[%parallel_loop3A_265], %parallel_loop3A_268 {strides = array<i32>} : memref<8192xf32, #tpu.memory_space<vmem>>, vector<16xf32>,
    } {sc.loop_unroll_factor = 4 : i64, sc.parallel_access}
    %parallel_loop3A_219 = arith.constant 256 : i32
    %parallel_loop3A_220 = arith.constant 1 : i32
    scf.for %parallel_loop3A_260 = %mul3A_206 to %parallel_loop3A_219 step %parallel_loop3A_220  : i32 {
      %parallel_loop3A_261 = arith.constant 16 : i32
      %parallel_loop3A_262 = arith.muli %parallel_loop3A_260, %parallel_loop3A_261 : i32
      %parallel_loop3A_263 = arith.constant 4096 : i32
      %parallel_loop3A_264 = arith.addi %parallel_loop3A_263, %parallel_loop3A_262 : i32
      %parallel_loop3A_265 = arith.index_cast %parallel_loop3A_264 : i32 to index
      %parallel_loop3A_266 = tpu.vector_load %arg8[%parallel_loop3A_265] {strides = array<i32>} : memref<8192xf32, #tpu.memory_space<vmem>>, vector<16xf32>,
      %parallel_loop3A_267 = vector.shape_cast %parallel_loop3A_266 : vector<16xf32> to vector<16xf32>
      %parallel_loop3A_268 = vector.shape_cast %broadcast_in_dim3A_23 : vector<16xf32> to vector<16xf32>
      tpu.vector_store %arg8[%parallel_loop3A_265], %parallel_loop3A_268 {strides = array<i32>} : memref<8192xf32, #tpu.memory_space<vmem>>, vector<16xf32>,
    } {sc.loop_unroll_factor = 4 : i64, sc.parallel_access}
    %dma_wait3A = arith.constant 0 : i32
    %dma_wait3A_221 = tpu.memref_slice %arg6[%dma_wait3A] : memref<4624xf32, #tpu.memory_space<vmem>> -> memref<4608xf32, #tpu.memory_space<vmem>>
    %dma_wait3A_222 = tpu.memref_slice %arg2[%min3A_43] : memref<131072xf32, #tpu.memory_space<hbm>> -> memref<4608xf32, #tpu.memory_space<hbm>>
    %dma_wait3A_223 = arith.constant 0 : i32
    %dma_wait3A_224 = tpu.memref_slice %arg6[%dma_wait3A_223] : memref<4624xf32, #tpu.memory_space<vmem>> -> memref<4608xf32, #tpu.memory_space<vmem>>
    %dma_wait3A_225 = tpu.memref_slice %arg2[%min3A_43] : memref<131072xf32, #tpu.memory_space<hbm>> -> memref<4608xf32, #tpu.memory_space<hbm>>
    tpu.wait_dma2 semaphore(%arg9 : memref<!tpu.dma_semaphore, #tpu.memory_space<semaphore_mem>>) src(%dma_wait3A_225 : memref<4608xf32, #tpu.memory_space<hbm>>) dst(%dma_wait3A_224 : memref<4608xf32, #tpu.memory_space<vmem>>)
    %parallel_loop3A_226 = arith.constant 0 : i32
    %parallel_loop3A_227 = arith.constant 1 : i32
    scf.for %parallel_loop3A_260 = %parallel_loop3A_226 to %mul3A_84 step %parallel_loop3A_227  : i32 {
      %parallel_loop3A_261 = arith.constant 16 : i32
      %parallel_loop3A_262 = arith.muli %parallel_loop3A_260, %parallel_loop3A_261 : i32
      %parallel_loop3A_263 = arith.addi %parallel_loop3A_262, %add3A_52 : i32
      %parallel_loop3A_264 = arith.constant 4608 : i32
      %parallel_loop3A_265 = arith.minsi %parallel_loop3A_263, %parallel_loop3A_264 : i32
      %parallel_loop3A_266 = arith.constant 384 : i32
      %parallel_loop3A_267 = arith.addi %parallel_loop3A_263, %parallel_loop3A_266 : i32
      %parallel_loop3A_268 = arith.constant 4608 : i32
      %parallel_loop3A_269 = arith.minsi %parallel_loop3A_267, %parallel_loop3A_268 : i32
      %parallel_loop3A_270 = arith.index_cast %parallel_loop3A_265 : i32 to index
      %parallel_loop3A_271 = tpu.vector_load %arg6[%parallel_loop3A_270] {strides = array<i32>} : memref<4624xf32, #tpu.memory_space<vmem>>, vector<16xf32>,
      %parallel_loop3A_272 = vector.shape_cast %parallel_loop3A_271 : vector<16xf32> to vector<16xf32>
      %parallel_loop3A_273 = arith.index_cast %parallel_loop3A_269 : i32 to index
      %parallel_loop3A_274 = tpu.vector_load %arg6[%parallel_loop3A_273] {strides = array<i32>} : memref<4624xf32, #tpu.memory_space<vmem>>, vector<16xf32>,
      %parallel_loop3A_275 = vector.shape_cast %parallel_loop3A_274 : vector<16xf32> to vector<16xf32>
      %parallel_loop3A_276 = arith.constant 8 : i32
      %parallel_loop3A_277 = arith.constant 0 : i32
      %parallel_loop3A_278 = arith.cmpi eq, %parallel_loop3A_276, %parallel_loop3A_277 : i32
      %parallel_loop3A_279 = arith.constant 1 : i32
      %parallel_loop3A_280 = arith.select %parallel_loop3A_278, %parallel_loop3A_279, %parallel_loop3A_276 : i32
      %parallel_loop3A_281 = arith.remsi %parallel_loop3A_260, %parallel_loop3A_280 : i32
      %parallel_loop3A_282 = arith.constant 0 : i32
      %parallel_loop3A_283 = arith.cmpi ne, %parallel_loop3A_281, %parallel_loop3A_282 : i32
      %parallel_loop3A_284 = arith.constant 0 : i32
      %parallel_loop3A_285 = arith.cmpi slt, %parallel_loop3A_281, %parallel_loop3A_284 : i32
      %parallel_loop3A_286 = arith.constant 0 : i32
      %parallel_loop3A_287 = arith.cmpi slt, %parallel_loop3A_280, %parallel_loop3A_286 : i32
      %parallel_loop3A_288 = arith.xori %parallel_loop3A_285, %parallel_loop3A_287 : i1
      %parallel_loop3A_289 = arith.andi %parallel_loop3A_288, %parallel_loop3A_283 : i1
      %parallel_loop3A_290 = arith.addi %parallel_loop3A_281, %parallel_loop3A_280 : i32
      %parallel_loop3A_291 = arith.select %parallel_loop3A_289, %parallel_loop3A_290, %parallel_loop3A_281 : i32
      %parallel_loop3A_292 = arith.constant 16 : i32
      %parallel_loop3A_293 = arith.muli %parallel_loop3A_291, %parallel_loop3A_292 : i32
      %parallel_loop3A_294 = vector.broadcast %parallel_loop3A_293 : i32 to vector<16xi32>
      %parallel_loop3A_295 = arith.addi %parallel_loop3A_294, %iota3A : vector<16xi32>
      %parallel_loop3A_296 = arith.constant 128 : i32
      %parallel_loop3A_297 = arith.subi %parallel_loop3A_296, %rem3A_35 : i32
      %parallel_loop3A_298 = vector.broadcast %parallel_loop3A_297 : i32 to vector<16xi32>
      %parallel_loop3A_299 = arith.cmpi slt, %parallel_loop3A_295, %parallel_loop3A_298 : vector<16xi32>
      %parallel_loop3A_300 = arith.select %parallel_loop3A_299, %parallel_loop3A_272, %parallel_loop3A_275 : vector<16xi1>, vector<16xf32>
      %parallel_loop3A_301 = arith.constant 16 : i32
      %parallel_loop3A_302 = arith.muli %parallel_loop3A_260, %parallel_loop3A_301 : i32
      %parallel_loop3A_303 = arith.constant 0 : i32
      %parallel_loop3A_304 = arith.addi %parallel_loop3A_303, %parallel_loop3A_302 : i32
      %parallel_loop3A_305 = arith.index_cast %parallel_loop3A_304 : i32 to index
      %parallel_loop3A_306 = tpu.vector_load %arg8[%parallel_loop3A_305] {strides = array<i32>} : memref<8192xf32, #tpu.memory_space<vmem>>, vector<16xf32>,
      %parallel_loop3A_307 = vector.shape_cast %parallel_loop3A_306 : vector<16xf32> to vector<16xf32>
      %parallel_loop3A_308 = vector.shape_cast %parallel_loop3A_300 : vector<16xf32> to vector<16xf32>
      tpu.vector_store %arg8[%parallel_loop3A_305], %parallel_loop3A_308 {strides = array<i32>} : memref<8192xf32, #tpu.memory_space<vmem>>, vector<16xf32>,
    } {sc.loop_unroll_factor = 4 : i64, sc.parallel_access}
    %parallel_loop3A_228 = arith.constant 1 : i32
    scf.for %parallel_loop3A_260 = %mul3A_84 to %mul3A_112 step %parallel_loop3A_228  : i32 {
      %parallel_loop3A_261 = arith.constant 16 : i32
      %parallel_loop3A_262 = arith.muli %parallel_loop3A_260, %parallel_loop3A_261 : i32
      %parallel_loop3A_263 = arith.addi %parallel_loop3A_262, %add3A_52 : i32
      %parallel_loop3A_264 = arith.constant 4608 : i32
      %parallel_loop3A_265 = arith.minsi %parallel_loop3A_263, %parallel_loop3A_264 : i32
      %parallel_loop3A_266 = arith.constant 384 : i32
      %parallel_loop3A_267 = arith.addi %parallel_loop3A_263, %parallel_loop3A_266 : i32
      %parallel_loop3A_268 = arith.constant 4608 : i32
      %parallel_loop3A_269 = arith.minsi %parallel_loop3A_267, %parallel_loop3A_268 : i32
      %parallel_loop3A_270 = arith.index_cast %parallel_loop3A_265 : i32 to index
      %parallel_loop3A_271 = tpu.vector_load %arg6[%parallel_loop3A_270] {strides = array<i32>} : memref<4624xf32, #tpu.memory_space<vmem>>, vector<16xf32>,
      %parallel_loop3A_272 = vector.shape_cast %parallel_loop3A_271 : vector<16xf32> to vector<16xf32>
      %parallel_loop3A_273 = arith.index_cast %parallel_loop3A_269 : i32 to index
      %parallel_loop3A_274 = tpu.vector_load %arg6[%parallel_loop3A_273] {strides = array<i32>} : memref<4624xf32, #tpu.memory_space<vmem>>, vector<16xf32>,
      %parallel_loop3A_275 = vector.shape_cast %parallel_loop3A_274 : vector<16xf32> to vector<16xf32>
      %parallel_loop3A_276 = arith.constant 8 : i32
      %parallel_loop3A_277 = arith.constant 0 : i32
      %parallel_loop3A_278 = arith.cmpi eq, %parallel_loop3A_276, %parallel_loop3A_277 : i32
      %parallel_loop3A_279 = arith.constant 1 : i32
      %parallel_loop3A_280 = arith.select %parallel_loop3A_278, %parallel_loop3A_279, %parallel_loop3A_276 : i32
      %parallel_loop3A_281 = arith.remsi %parallel_loop3A_260, %parallel_loop3A_280 : i32
      %parallel_loop3A_282 = arith.constant 0 : i32
      %parallel_loop3A_283 = arith.cmpi ne, %parallel_loop3A_281, %parallel_loop3A_282 : i32
      %parallel_loop3A_284 = arith.constant 0 : i32
      %parallel_loop3A_285 = arith.cmpi slt, %parallel_loop3A_281, %parallel_loop3A_284 : i32
      %parallel_loop3A_286 = arith.constant 0 : i32
      %parallel_loop3A_287 = arith.cmpi slt, %parallel_loop3A_280, %parallel_loop3A_286 : i32
      %parallel_loop3A_288 = arith.xori %parallel_loop3A_285, %parallel_loop3A_287 : i1
      %parallel_loop3A_289 = arith.andi %parallel_loop3A_288, %parallel_loop3A_283 : i1
      %parallel_loop3A_290 = arith.addi %parallel_loop3A_281, %parallel_loop3A_280 : i32
      %parallel_loop3A_291 = arith.select %parallel_loop3A_289, %parallel_loop3A_290, %parallel_loop3A_281 : i32
      %parallel_loop3A_292 = arith.constant 16 : i32
      %parallel_loop3A_293 = arith.muli %parallel_loop3A_291, %parallel_loop3A_292 : i32
      %parallel_loop3A_294 = vector.broadcast %parallel_loop3A_293 : i32 to vector<16xi32>
      %parallel_loop3A_295 = arith.addi %parallel_loop3A_294, %iota3A : vector<16xi32>
      %parallel_loop3A_296 = arith.constant 128 : i32
      %parallel_loop3A_297 = arith.subi %parallel_loop3A_296, %rem3A_35 : i32
      %parallel_loop3A_298 = vector.broadcast %parallel_loop3A_297 : i32 to vector<16xi32>
      %parallel_loop3A_299 = arith.cmpi slt, %parallel_loop3A_295, %parallel_loop3A_298 : vector<16xi32>
      %parallel_loop3A_300 = arith.select %parallel_loop3A_299, %parallel_loop3A_272, %parallel_loop3A_275 : vector<16xi1>, vector<16xf32>
      %parallel_loop3A_301 = arith.constant 32 : i32
      %parallel_loop3A_302 = arith.divsi %parallel_loop3A_260, %parallel_loop3A_301 : i32
      %parallel_loop3A_303 = arith.constant 0 : i32
      %parallel_loop3A_304 = arith.cmpi sgt, %parallel_loop3A_260, %parallel_loop3A_303 : i32
      %parallel_loop3A_305 = arith.extui %parallel_loop3A_304 : i1 to i32
      %parallel_loop3A_306 = arith.constant 0 : i32
      %parallel_loop3A_307 = arith.cmpi slt, %parallel_loop3A_260, %parallel_loop3A_306 : i32
      %parallel_loop3A_308 = arith.extui %parallel_loop3A_307 : i1 to i32
      %parallel_loop3A_309 = arith.subi %parallel_loop3A_305, %parallel_loop3A_308 : i32
      %parallel_loop3A_310 = arith.constant 0 : i32
      %parallel_loop3A_311 = arith.cmpi sgt, %parallel_loop3A_301, %parallel_loop3A_310 : i32
      %parallel_loop3A_312 = arith.extui %parallel_loop3A_311 : i1 to i32
      %parallel_loop3A_313 = arith.constant 0 : i32
      %parallel_loop3A_314 = arith.cmpi slt, %parallel_loop3A_301, %parallel_loop3A_313 : i32
      %parallel_loop3A_315 = arith.extui %parallel_loop3A_314 : i1 to i32
      %parallel_loop3A_316 = arith.subi %parallel_loop3A_312, %parallel_loop3A_315 : i32
      %parallel_loop3A_317 = arith.cmpi ne, %parallel_loop3A_309, %parallel_loop3A_316 : i32
      %parallel_loop3A_318 = arith.remsi %parallel_loop3A_260, %parallel_loop3A_301 : i32
      %parallel_loop3A_319 = arith.constant 0 : i32
      %parallel_loop3A_320 = arith.cmpi ne, %parallel_loop3A_318, %parallel_loop3A_319 : i32
      %parallel_loop3A_321 = arith.andi %parallel_loop3A_317, %parallel_loop3A_320 : i1
      %parallel_loop3A_322 = arith.constant 1 : i32
      %parallel_loop3A_323 = arith.subi %parallel_loop3A_302, %parallel_loop3A_322 : i32
      %parallel_loop3A_324 = arith.select %parallel_loop3A_321, %parallel_loop3A_323, %parallel_loop3A_302 : i32
      %parallel_loop3A_325 = arith.addi %mul3A_37, %parallel_loop3A_324 : i32
      %parallel_loop3A_326 = arith.constant 128 : i32
      %parallel_loop3A_327 = arith.muli %parallel_loop3A_325, %parallel_loop3A_326 : i32
      %parallel_loop3A_328 = vector.broadcast %parallel_loop3A_327 : i32 to vector<16xi32>
      %parallel_loop3A_329 = arith.addi %parallel_loop3A_328, %parallel_loop3A_295 : vector<16xi32>
      %parallel_loop3A_330 = vector.broadcast %sub3A_33 : i32 to vector<16xi32>
      %parallel_loop3A_331 = arith.cmpi slt, %parallel_loop3A_329, %parallel_loop3A_330 : vector<16xi32>
      %parallel_loop3A_332 = arith.constant -1.000000e+00 : f32
      %parallel_loop3A_333 = vector.broadcast %parallel_loop3A_332 : f32 to vector<16xf32>
      %parallel_loop3A_334 = arith.select %parallel_loop3A_331, %parallel_loop3A_300, %parallel_loop3A_333 : vector<16xi1>, vector<16xf32>
      %parallel_loop3A_335 = arith.constant 16 : i32
      %parallel_loop3A_336 = arith.muli %parallel_loop3A_260, %parallel_loop3A_335 : i32
      %parallel_loop3A_337 = arith.constant 0 : i32
      %parallel_loop3A_338 = arith.addi %parallel_loop3A_337, %parallel_loop3A_336 : i32
      %parallel_loop3A_339 = arith.index_cast %parallel_loop3A_338 : i32 to index
      %parallel_loop3A_340 = tpu.vector_load %arg8[%parallel_loop3A_339] {strides = array<i32>} : memref<8192xf32, #tpu.memory_space<vmem>>, vector<16xf32>,
      %parallel_loop3A_341 = vector.shape_cast %parallel_loop3A_340 : vector<16xf32> to vector<16xf32>
      %parallel_loop3A_342 = vector.shape_cast %parallel_loop3A_334 : vector<16xf32> to vector<16xf32>
      tpu.vector_store %arg8[%parallel_loop3A_339], %parallel_loop3A_342 {strides = array<i32>} : memref<8192xf32, #tpu.memory_space<vmem>>, vector<16xf32>,
    } {sc.loop_unroll_factor = 1 : i64, sc.parallel_access}
    %mul3A_229 = arith.constant 16384 : i32
    %mul3A_230 = arith.muli %select_n3A, %mul3A_229 : i32
    %mul3A_231 = arith.constant 4096 : i32
    %mul3A_232 = arith.muli %rem3A_18, %mul3A_231 : i32
    %add3A_233 = arith.addi %mul3A_230, %mul3A_232 : i32
    %dma_start3A_234 = arith.constant 0 : i32
    %dma_start3A_235 = tpu.memref_slice %arg8[%dma_start3A_234] : memref<8192xf32, #tpu.memory_space<vmem>> -> memref<4096xf32, #tpu.memory_space<vmem>>
    %dma_start3A_236 = tpu.memref_slice %arg4[%add3A_233] : memref<262144xf32, #tpu.memory_space<hbm>> -> memref<4096xf32, #tpu.memory_space<hbm>>
    %dma_start3A_237 = tpu.memref_slice %arg4[%add3A_233] : memref<262144xf32, #tpu.memory_space<hbm>> -> memref<4096xf32, #tpu.memory_space<hbm>>
    %dma_start3A_238 = arith.constant 0 : i32
    %dma_start3A_239 = tpu.memref_slice %arg8[%dma_start3A_238] : memref<8192xf32, #tpu.memory_space<vmem>> -> memref<4096xf32, #tpu.memory_space<vmem>>
    tpu.enqueue_dma source(%dma_start3A_239 : memref<4096xf32, #tpu.memory_space<vmem>>) target(%dma_start3A_237 : memref<4096xf32, #tpu.memory_space<hbm>>) target_semaphore(%arg11 : memref<!tpu.dma_semaphore, #tpu.memory_space<semaphore_mem>>)
    %dma_wait3A_240 = arith.constant 0 : i32
    %dma_wait3A_241 = tpu.memref_slice %arg7[%dma_wait3A_240] : memref<4624xf32, #tpu.memory_space<vmem>> -> memref<4608xf32, #tpu.memory_space<vmem>>
    %dma_wait3A_242 = tpu.memref_slice %arg2[%min3A_136] : memref<131072xf32, #tpu.memory_space<hbm>> -> memref<4608xf32, #tpu.memory_space<hbm>>
    %dma_wait3A_243 = arith.constant 0 : i32
    %dma_wait3A_244 = tpu.memref_slice %arg7[%dma_wait3A_243] : memref<4624xf32, #tpu.memory_space<vmem>> -> memref<4608xf32, #tpu.memory_space<vmem>>
    %dma_wait3A_245 = tpu.memref_slice %arg2[%min3A_136] : memref<131072xf32, #tpu.memory_space<hbm>> -> memref<4608xf32, #tpu.memory_space<hbm>>
    tpu.wait_dma2 semaphore(%arg10 : memref<!tpu.dma_semaphore, #tpu.memory_space<semaphore_mem>>) src(%dma_wait3A_245 : memref<4608xf32, #tpu.memory_space<hbm>>) dst(%dma_wait3A_244 : memref<4608xf32, #tpu.memory_space<vmem>>)
    %parallel_loop3A_246 = arith.constant 0 : i32
    %parallel_loop3A_247 = arith.constant 1 : i32
    scf.for %parallel_loop3A_260 = %parallel_loop3A_246 to %mul3A_178 step %parallel_loop3A_247  : i32 {
      %parallel_loop3A_261 = arith.constant 16 : i32
      %parallel_loop3A_262 = arith.muli %parallel_loop3A_260, %parallel_loop3A_261 : i32
      %parallel_loop3A_263 = arith.addi %parallel_loop3A_262, %add3A_145 : i32
      %parallel_loop3A_264 = arith.constant 4608 : i32
      %parallel_loop3A_265 = arith.minsi %parallel_loop3A_263, %parallel_loop3A_264 : i32
      %parallel_loop3A_266 = arith.constant 384 : i32
      %parallel_loop3A_267 = arith.addi %parallel_loop3A_263, %parallel_loop3A_266 : i32
      %parallel_loop3A_268 = arith.constant 4608 : i32
      %parallel_loop3A_269 = arith.minsi %parallel_loop3A_267, %parallel_loop3A_268 : i32
      %parallel_loop3A_270 = arith.index_cast %parallel_loop3A_265 : i32 to index
      %parallel_loop3A_271 = tpu.vector_load %arg7[%parallel_loop3A_270] {strides = array<i32>} : memref<4624xf32, #tpu.memory_space<vmem>>, vector<16xf32>,
      %parallel_loop3A_272 = vector.shape_cast %parallel_loop3A_271 : vector<16xf32> to vector<16xf32>
      %parallel_loop3A_273 = arith.index_cast %parallel_loop3A_269 : i32 to index
      %parallel_loop3A_274 = tpu.vector_load %arg7[%parallel_loop3A_273] {strides = array<i32>} : memref<4624xf32, #tpu.memory_space<vmem>>, vector<16xf32>,
      %parallel_loop3A_275 = vector.shape_cast %parallel_loop3A_274 : vector<16xf32> to vector<16xf32>
      %parallel_loop3A_276 = arith.constant 8 : i32
      %parallel_loop3A_277 = arith.constant 0 : i32
      %parallel_loop3A_278 = arith.cmpi eq, %parallel_loop3A_276, %parallel_loop3A_277 : i32
      %parallel_loop3A_279 = arith.constant 1 : i32
      %parallel_loop3A_280 = arith.select %parallel_loop3A_278, %parallel_loop3A_279, %parallel_loop3A_276 : i32
      %parallel_loop3A_281 = arith.remsi %parallel_loop3A_260, %parallel_loop3A_280 : i32
      %parallel_loop3A_282 = arith.constant 0 : i32
      %parallel_loop3A_283 = arith.cmpi ne, %parallel_loop3A_281, %parallel_loop3A_282 : i32
      %parallel_loop3A_284 = arith.constant 0 : i32
      %parallel_loop3A_285 = arith.cmpi slt, %parallel_loop3A_281, %parallel_loop3A_284 : i32
      %parallel_loop3A_286 = arith.constant 0 : i32
      %parallel_loop3A_287 = arith.cmpi slt, %parallel_loop3A_280, %parallel_loop3A_286 : i32
      %parallel_loop3A_288 = arith.xori %parallel_loop3A_285, %parallel_loop3A_287 : i1
      %parallel_loop3A_289 = arith.andi %parallel_loop3A_288, %parallel_loop3A_283 : i1
      %parallel_loop3A_290 = arith.addi %parallel_loop3A_281, %parallel_loop3A_280 : i32
      %parallel_loop3A_291 = arith.select %parallel_loop3A_289, %parallel_loop3A_290, %parallel_loop3A_281 : i32
      %parallel_loop3A_292 = arith.constant 16 : i32
      %parallel_loop3A_293 = arith.muli %parallel_loop3A_291, %parallel_loop3A_292 : i32
      %parallel_loop3A_294 = vector.broadcast %parallel_loop3A_293 : i32 to vector<16xi32>
      %parallel_loop3A_295 = arith.addi %parallel_loop3A_294, %iota3A : vector<16xi32>
      %parallel_loop3A_296 = arith.constant 128 : i32
      %parallel_loop3A_297 = arith.subi %parallel_loop3A_296, %rem3A_127 : i32
      %parallel_loop3A_298 = vector.broadcast %parallel_loop3A_297 : i32 to vector<16xi32>
      %parallel_loop3A_299 = arith.cmpi slt, %parallel_loop3A_295, %parallel_loop3A_298 : vector<16xi32>
      %parallel_loop3A_300 = arith.select %parallel_loop3A_299, %parallel_loop3A_272, %parallel_loop3A_275 : vector<16xi1>, vector<16xf32>
      %parallel_loop3A_301 = arith.constant 16 : i32
      %parallel_loop3A_302 = arith.muli %parallel_loop3A_260, %parallel_loop3A_301 : i32
      %parallel_loop3A_303 = arith.constant 4096 : i32
      %parallel_loop3A_304 = arith.addi %parallel_loop3A_303, %parallel_loop3A_302 : i32
      %parallel_loop3A_305 = arith.index_cast %parallel_loop3A_304 : i32 to index
      %parallel_loop3A_306 = tpu.vector_load %arg8[%parallel_loop3A_305] {strides = array<i32>} : memref<8192xf32, #tpu.memory_space<vmem>>, vector<16xf32>,
      %parallel_loop3A_307 = vector.shape_cast %parallel_loop3A_306 : vector<16xf32> to vector<16xf32>
      %parallel_loop3A_308 = vector.shape_cast %parallel_loop3A_300 : vector<16xf32> to vector<16xf32>
      tpu.vector_store %arg8[%parallel_loop3A_305], %parallel_loop3A_308 {strides = array<i32>} : memref<8192xf32, #tpu.memory_space<vmem>>, vector<16xf32>,
    } {sc.loop_unroll_factor = 4 : i64, sc.parallel_access}
    %parallel_loop3A_248 = arith.constant 1 : i32
    scf.for %parallel_loop3A_260 = %mul3A_178 to %mul3A_206 step %parallel_loop3A_248  : i32 {
      %parallel_loop3A_261 = arith.constant 16 : i32
      %parallel_loop3A_262 = arith.muli %parallel_loop3A_260, %parallel_loop3A_261 : i32
      %parallel_loop3A_263 = arith.addi %parallel_loop3A_262, %add3A_145 : i32
      %parallel_loop3A_264 = arith.constant 4608 : i32
      %parallel_loop3A_265 = arith.minsi %parallel_loop3A_263, %parallel_loop3A_264 : i32
      %parallel_loop3A_266 = arith.constant 384 : i32
      %parallel_loop3A_267 = arith.addi %parallel_loop3A_263, %parallel_loop3A_266 : i32
      %parallel_loop3A_268 = arith.constant 4608 : i32
      %parallel_loop3A_269 = arith.minsi %parallel_loop3A_267, %parallel_loop3A_268 : i32
      %parallel_loop3A_270 = arith.index_cast %parallel_loop3A_265 : i32 to index
      %parallel_loop3A_271 = tpu.vector_load %arg7[%parallel_loop3A_270] {strides = array<i32>} : memref<4624xf32, #tpu.memory_space<vmem>>, vector<16xf32>,
      %parallel_loop3A_272 = vector.shape_cast %parallel_loop3A_271 : vector<16xf32> to vector<16xf32>
      %parallel_loop3A_273 = arith.index_cast %parallel_loop3A_269 : i32 to index
      %parallel_loop3A_274 = tpu.vector_load %arg7[%parallel_loop3A_273] {strides = array<i32>} : memref<4624xf32, #tpu.memory_space<vmem>>, vector<16xf32>,
      %parallel_loop3A_275 = vector.shape_cast %parallel_loop3A_274 : vector<16xf32> to vector<16xf32>
      %parallel_loop3A_276 = arith.constant 8 : i32
      %parallel_loop3A_277 = arith.constant 0 : i32
      %parallel_loop3A_278 = arith.cmpi eq, %parallel_loop3A_276, %parallel_loop3A_277 : i32
      %parallel_loop3A_279 = arith.constant 1 : i32
      %parallel_loop3A_280 = arith.select %parallel_loop3A_278, %parallel_loop3A_279, %parallel_loop3A_276 : i32
      %parallel_loop3A_281 = arith.remsi %parallel_loop3A_260, %parallel_loop3A_280 : i32
      %parallel_loop3A_282 = arith.constant 0 : i32
      %parallel_loop3A_283 = arith.cmpi ne, %parallel_loop3A_281, %parallel_loop3A_282 : i32
      %parallel_loop3A_284 = arith.constant 0 : i32
      %parallel_loop3A_285 = arith.cmpi slt, %parallel_loop3A_281, %parallel_loop3A_284 : i32
      %parallel_loop3A_286 = arith.constant 0 : i32
      %parallel_loop3A_287 = arith.cmpi slt, %parallel_loop3A_280, %parallel_loop3A_286 : i32
      %parallel_loop3A_288 = arith.xori %parallel_loop3A_285, %parallel_loop3A_287 : i1
      %parallel_loop3A_289 = arith.andi %parallel_loop3A_288, %parallel_loop3A_283 : i1
      %parallel_loop3A_290 = arith.addi %parallel_loop3A_281, %parallel_loop3A_280 : i32
      %parallel_loop3A_291 = arith.select %parallel_loop3A_289, %parallel_loop3A_290, %parallel_loop3A_281 : i32
      %parallel_loop3A_292 = arith.constant 16 : i32
      %parallel_loop3A_293 = arith.muli %parallel_loop3A_291, %parallel_loop3A_292 : i32
      %parallel_loop3A_294 = vector.broadcast %parallel_loop3A_293 : i32 to vector<16xi32>
      %parallel_loop3A_295 = arith.addi %parallel_loop3A_294, %iota3A : vector<16xi32>
      %parallel_loop3A_296 = arith.constant 128 : i32
      %parallel_loop3A_297 = arith.subi %parallel_loop3A_296, %rem3A_127 : i32
      %parallel_loop3A_298 = vector.broadcast %parallel_loop3A_297 : i32 to vector<16xi32>
      %parallel_loop3A_299 = arith.cmpi slt, %parallel_loop3A_295, %parallel_loop3A_298 : vector<16xi32>
      %parallel_loop3A_300 = arith.select %parallel_loop3A_299, %parallel_loop3A_272, %parallel_loop3A_275 : vector<16xi1>, vector<16xf32>
      %parallel_loop3A_301 = arith.constant 32 : i32
      %parallel_loop3A_302 = arith.divsi %parallel_loop3A_260, %parallel_loop3A_301 : i32
      %parallel_loop3A_303 = arith.constant 0 : i32
      %parallel_loop3A_304 = arith.cmpi sgt, %parallel_loop3A_260, %parallel_loop3A_303 : i32
      %parallel_loop3A_305 = arith.extui %parallel_loop3A_304 : i1 to i32
      %parallel_loop3A_306 = arith.constant 0 : i32
      %parallel_loop3A_307 = arith.cmpi slt, %parallel_loop3A_260, %parallel_loop3A_306 : i32
      %parallel_loop3A_308 = arith.extui %parallel_loop3A_307 : i1 to i32
      %parallel_loop3A_309 = arith.subi %parallel_loop3A_305, %parallel_loop3A_308 : i32
      %parallel_loop3A_310 = arith.constant 0 : i32
      %parallel_loop3A_311 = arith.cmpi sgt, %parallel_loop3A_301, %parallel_loop3A_310 : i32
      %parallel_loop3A_312 = arith.extui %parallel_loop3A_311 : i1 to i32
      %parallel_loop3A_313 = arith.constant 0 : i32
      %parallel_loop3A_314 = arith.cmpi slt, %parallel_loop3A_301, %parallel_loop3A_313 : i32
      %parallel_loop3A_315 = arith.extui %parallel_loop3A_314 : i1 to i32
      %parallel_loop3A_316 = arith.subi %parallel_loop3A_312, %parallel_loop3A_315 : i32
      %parallel_loop3A_317 = arith.cmpi ne, %parallel_loop3A_309, %parallel_loop3A_316 : i32
      %parallel_loop3A_318 = arith.remsi %parallel_loop3A_260, %parallel_loop3A_301 : i32
      %parallel_loop3A_319 = arith.constant 0 : i32
      %parallel_loop3A_320 = arith.cmpi ne, %parallel_loop3A_318, %parallel_loop3A_319 : i32
      %parallel_loop3A_321 = arith.andi %parallel_loop3A_317, %parallel_loop3A_320 : i1
      %parallel_loop3A_322 = arith.constant 1 : i32
      %parallel_loop3A_323 = arith.subi %parallel_loop3A_302, %parallel_loop3A_322 : i32
      %parallel_loop3A_324 = arith.select %parallel_loop3A_321, %parallel_loop3A_323, %parallel_loop3A_302 : i32
      %parallel_loop3A_325 = arith.addi %mul3A_129, %parallel_loop3A_324 : i32
      %parallel_loop3A_326 = arith.constant 128 : i32
      %parallel_loop3A_327 = arith.muli %parallel_loop3A_325, %parallel_loop3A_326 : i32
      %parallel_loop3A_328 = vector.broadcast %parallel_loop3A_327 : i32 to vector<16xi32>
      %parallel_loop3A_329 = arith.addi %parallel_loop3A_328, %parallel_loop3A_295 : vector<16xi32>
      %parallel_loop3A_330 = vector.broadcast %sub3A_125 : i32 to vector<16xi32>
      %parallel_loop3A_331 = arith.cmpi slt, %parallel_loop3A_329, %parallel_loop3A_330 : vector<16xi32>
      %parallel_loop3A_332 = arith.constant -1.000000e+00 : f32
      %parallel_loop3A_333 = vector.broadcast %parallel_loop3A_332 : f32 to vector<16xf32>
      %parallel_loop3A_334 = arith.select %parallel_loop3A_331, %parallel_loop3A_300, %parallel_loop3A_333 : vector<16xi1>, vector<16xf32>
      %parallel_loop3A_335 = arith.constant 16 : i32
      %parallel_loop3A_336 = arith.muli %parallel_loop3A_260, %parallel_loop3A_335 : i32
      %parallel_loop3A_337 = arith.constant 4096 : i32
      %parallel_loop3A_338 = arith.addi %parallel_loop3A_337, %parallel_loop3A_336 : i32
      %parallel_loop3A_339 = arith.index_cast %parallel_loop3A_338 : i32 to index
      %parallel_loop3A_340 = tpu.vector_load %arg8[%parallel_loop3A_339] {strides = array<i32>} : memref<8192xf32, #tpu.memory_space<vmem>>, vector<16xf32>,
      %parallel_loop3A_341 = vector.shape_cast %parallel_loop3A_340 : vector<16xf32> to vector<16xf32>
      %parallel_loop3A_342 = vector.shape_cast %parallel_loop3A_334 : vector<16xf32> to vector<16xf32>
      tpu.vector_store %arg8[%parallel_loop3A_339], %parallel_loop3A_342 {strides = array<i32>} : memref<8192xf32, #tpu.memory_space<vmem>>, vector<16xf32>,
    } {sc.loop_unroll_factor = 1 : i64, sc.parallel_access}
    %mul3A_249 = arith.constant 16384 : i32
    %mul3A_250 = arith.muli %add3A_20, %mul3A_249 : i32
    %mul3A_251 = arith.constant 4096 : i32
    %mul3A_252 = arith.muli %sub3A_22, %mul3A_251 : i32
    %add3A_253 = arith.addi %mul3A_250, %mul3A_252 : i32
    "tpu.region"() ({
      %run_scoped3A = tpu.sem_alloc : memref<!tpu.dma_semaphore, #tpu.memory_space<semaphore_mem>>
      %dma_start3A_260 = arith.constant 4096 : i32
      %dma_start3A_261 = tpu.memref_slice %arg8[%dma_start3A_260] : memref<8192xf32, #tpu.memory_space<vmem>> -> memref<4096xf32, #tpu.memory_space<vmem>>
      %dma_start3A_262 = tpu.memref_slice %arg4[%add3A_253] : memref<262144xf32, #tpu.memory_space<hbm>> -> memref<4096xf32, #tpu.memory_space<hbm>>
      %dma_start3A_263 = tpu.memref_slice %arg4[%add3A_253] : memref<262144xf32, #tpu.memory_space<hbm>> -> memref<4096xf32, #tpu.memory_space<hbm>>
      %dma_start3A_264 = arith.constant 4096 : i32
      %dma_start3A_265 = tpu.memref_slice %arg8[%dma_start3A_264] : memref<8192xf32, #tpu.memory_space<vmem>> -> memref<4096xf32, #tpu.memory_space<vmem>>
      tpu.enqueue_dma source(%dma_start3A_265 : memref<4096xf32, #tpu.memory_space<vmem>>) target(%dma_start3A_263 : memref<4096xf32, #tpu.memory_space<hbm>>) target_semaphore(%run_scoped3A : memref<!tpu.dma_semaphore, #tpu.memory_space<semaphore_mem>>)
      %dma_wait3A_266 = arith.constant 4096 : i32
      %dma_wait3A_267 = tpu.memref_slice %arg8[%dma_wait3A_266] : memref<8192xf32, #tpu.memory_space<vmem>> -> memref<4096xf32, #tpu.memory_space<vmem>>
      %dma_wait3A_268 = tpu.memref_slice %arg4[%add3A_253] : memref<262144xf32, #tpu.memory_space<hbm>> -> memref<4096xf32, #tpu.memory_space<hbm>>
      %dma_wait3A_269 = tpu.memref_slice %arg4[%add3A_253] : memref<262144xf32, #tpu.memory_space<hbm>> -> memref<4096xf32, #tpu.memory_space<hbm>>
      %dma_wait3A_270 = arith.constant 4096 : i32
      %dma_wait3A_271 = tpu.memref_slice %arg8[%dma_wait3A_270] : memref<8192xf32, #tpu.memory_space<vmem>> -> memref<4096xf32, #tpu.memory_space<vmem>>
      tpu.wait_dma2 semaphore(%run_scoped3A : memref<!tpu.dma_semaphore, #tpu.memory_space<semaphore_mem>>) src(%dma_wait3A_271 : memref<4096xf32, #tpu.memory_space<vmem>>) dst(%dma_wait3A_269 : memref<4096xf32, #tpu.memory_space<hbm>>)
      tpu.yield
    }) : () -> ()
    %dma_wait3A_254 = arith.constant 0 : i32
    %dma_wait3A_255 = tpu.memref_slice %arg8[%dma_wait3A_254] : memref<8192xf32, #tpu.memory_space<vmem>> -> memref<4096xf32, #tpu.memory_space<vmem>>
    %dma_wait3A_256 = tpu.memref_slice %arg4[%add3A_233] : memref<262144xf32, #tpu.memory_space<hbm>> -> memref<4096xf32, #tpu.memory_space<hbm>>
    %dma_wait3A_257 = tpu.memref_slice %arg4[%add3A_233] : memref<262144xf32, #tpu.memory_space<hbm>> -> memref<4096xf32, #tpu.memory_space<hbm>>
    %dma_wait3A_258 = arith.constant 0 : i32
    %dma_wait3A_259 = tpu.memref_slice %arg8[%dma_wait3A_258] : memref<8192xf32, #tpu.memory_space<vmem>> -> memref<4096xf32, #tpu.memory_space<vmem>>
    tpu.wait_dma2 semaphore(%arg11 : memref<!tpu.dma_semaphore, #tpu.memory_space<semaphore_mem>>) src(%dma_wait3A_259 : memref<4096xf32, #tpu.memory_space<vmem>>) dst(%dma_wait3A_257 : memref<4096xf32, #tpu.memory_space<hbm>>)
    return
  }
}

</mosaic_0001>

<sc_bundles>
// kernel: _bbox_to_dense.3.cloned.1.call-start
scs
__scs_entry_jumppad:
0x0: {  	(pc) =	sbr.rel $0x88, $3  }
0x1: {  	(tag) =	ssettag $0x0;
	lr =	simm.s32 $0x1  }
0x2: {  	[smem:$0x3F9F] =	sst lr;
	_ =	strace $0xD0000000  }
0x3: {  	_ = 	snop  }
0x4: {  	_ = 	snop  }
0x5: {  	_ = 	snop  }
0x6: {  	_ = 	snop  }
0x7: {  	_ = 	snop  }
__scs_overlays_trampoline_lowered:
0x8: {  	[smem:$0x3FAE] =	sst s0  }
0x9: {  	[smem:$0x3FAF] =	sst s1  }
0xa: {  	[smem:$0x3FB0] =	sst s2  }
0xb: {  	[smem:$0x3FB1] =	sst s3  }
0xc: {  	[smem:$0x3FB2] =	sst s4  }
0xd: {  	[smem:$0x3FB3] =	sst s5  }
0xe: {  	[smem:$0x3FB4] =	sst s6  }
0xf: {  	[smem:$0x3FB5] =	sst s7  }
0x10: {  	[smem:$0x3FB6] =	sst s8  }
0x11: {  	[smem:$0x3FB7] =	sst s9;
	s0 =	simm.s32 @!p0 $0x0  }
0x12: {  	s1 =	sld [smem:$0x3F9D];
	s0 =	simm.s32 @p0 $0x1  }
0x13: {  	[smem:$0x3FB8] =	sst s0;
	s0 =	simm.s32 @!p1 $0x0  }
0x14: {  	s2 =	sld [smem:$0x3F9C];
	s0 =	simm.s32 @p1 $0x1  }
0x15: {  	[smem:$0x3FB9] =	sst s0;
	s0 =	simm.s32 @!p2 $0x0  }
0x16: {  	s3 =	sld [smem:$0x3FDB];
	s0 =	simm.s32 @p2 $0x1  }
0x17: {  	s4 =	simm.s32 $0x1BF5;
	[smem:$0x3FBB] =	sst s0  }
0x18: {  	s0 =	sld [smem:$0x3F9E];
	_ =	swait.ge [sflag:s4], $0x0  }
0x19: {  	s7 =	sld [smem:$0x3F9F]  }
0x1a: {  	s8 =	sadd.s32 $0xFFFFE003, lr  }
0x1b: {  	s9 =	sadd.s32 $0xFFFFFEF7, lr;
	s5 =	simm.s32 $0xFFFFFFFF;
	p2 =	slt.u32 s8, $0xFFFFF086  }
0x1c: {  	p1 =	slt.u32 s9, $0xF7A;
	s5 =	simm.s32 @!p2 $0x0  }
0x1d: {  	s5 =	simm.s32 @p1 $0x1;
	p0 =	seq.s32 s7, s2  }
0x1e: {  	s7 =	smul.u32 @!p0 $0xF7A, s2;
	p2 =	seq.s32 @!p0 s5, $0x0  }
0x1f: {  	s9 =	smul.u32 $0xF7A, s1;
	s8 =	simm.s32 @!p0 $0x1BF5;
	p2 =	por !p2, p0  }
0x20: {  	[sflag:s8] =	ssyncset.s32 @!p0 $0xFFFFF086;
	s6 =	sadd.s32 @!p0 s3, s7;
	s7 =	simm.s32 @!p0 $0x108  }
0x21: {  	s3 =	sadd.s32 s3, s9;
	s6 =	sadd.s32 @!p0 $0x88, s6;
	s7 =	simm.s32 @p2 $0x1082  }
0x22: {  	[simem:s7], [sflag:s8] =	dma.local @!p0 [hbm:s6], $0xF7A  }
0x23: {  	s9 =	sor.u32 $0xD0000000, s2;
	s6 =	simm.s32 $0x108;
	_ =	swait.ge @!p0 [sflag:s8], $0x0  }
0x24: {  	s3 =	sadd.s32 $0x88, s3;
	s6 =	simm.s32 @!p1 $0x1082;
	[sflag:s4] =	ssyncset.s32 $0xFFFFF086  }
0x25: {  	[simem:s6], [sflag:s4] =	dma.local [hbm:s3], $0xF7A  }
0x26: {  	[smem:$0x3F9F] =	sst s1;
	(tag) =	ssettag s2;
	_ =	strace s9  }
0x27: {  	s1 =	sld [smem:$0x3FAF]  }
0x28: {  	s2 =	sld [smem:$0x3FB0]  }
0x29: {  	s4 =	sld [smem:$0x3FB2]  }
0x2a: {  	p0 =	seq.s32 s5, $0x0;
	s5 =	sld [smem:$0x3FB3]  }
0x2b: {  	s6 =	sld [smem:$0x3FB4]  }
0x2c: {  	s7 =	sld [smem:$0x3FB5]  }
0x2d: {  	s3 =	simm.s32 $0x108;
	s8 =	sld [smem:$0x3FB6]  }
0x2e: {  	s3 =	simm.s32 @!p0 $0x1082;
	s9 =	sld [smem:$0x3FB7]  }
0x2f: {  	lr =	sadd.s32 s0, s3;
	s0 =	sld [smem:$0x3FAE]  }
0x30: {  	s3 =	sld [smem:$0x3FB1]  }
0x31: {  	[smem:$0x3FBA] =	sst s10  }
0x32: {  	s10 =	sld [smem:$0x3FB8];
	_ =	sdelay $0x3  }
0x33: {  	p0 =	seq.s32 s10, $0x1;
	s10 =	sld [smem:$0x3FBA];
	_ =	sdelay $0x3  }
0x34: {  	[smem:$0x3FBA] =	sst s10  }
0x35: {  	s10 =	sld [smem:$0x3FB9];
	_ =	sdelay $0x3  }
0x36: {  	p1 =	seq.s32 s10, $0x1;
	s10 =	sld [smem:$0x3FBA];
	_ =	sdelay $0x3  }
0x37: {  	[smem:$0x3FBA] =	sst s10  }
0x38: {  	s10 =	sld [smem:$0x3FBB]  }
0x39: {  	_ = 	snop;
	(pc) =	sbr.ind lr, $3  }
0x3a: {  	_ = 	snop  }
0x3b: {  	_ = 	snop  }
0x3c: {  	p2 =	seq.s32 s10, $0x1;
	s10 =	sld [smem:$0x3FBA]  }
0x3d: {  	_ =	shalt  }
0x3e: {  	_ =	shalt  }
0x3f: {  	_ =	shalt  }
0x40: {  	_ =	shalt  }
0x41: {  	_ =	shalt  }
0x42: {  	_ =	shalt  }
0x43: {  	_ =	shalt  }
0x44: {  	_ =	shalt  }
0x45: {  	_ =	shalt  }
0x46: {  	_ =	shalt  }
0x47: {  	_ =	shalt  }
0x48: {  	_ =	shalt  }
0x49: {  	_ =	shalt  }
0x4a: {  	_ =	shalt  }
0x4b: {  	_ =	shalt  }
0x4c: {  	_ =	shalt  }
0x4d: {  	_ =	shalt  }
0x4e: {  	_ =	shalt  }
0x4f: {  	_ =	shalt  }
0x50: {  	_ =	shalt  }
0x51: {  	_ =	shalt  }
0x52: {  	_ =	shalt  }
0x53: {  	_ =	shalt  }
0x54: {  	_ =	shalt  }
0x55: {  	_ =	shalt  }
0x56: {  	_ =	shalt  }
0x57: {  	_ =	shalt  }
0x58: {  	_ =	shalt  }
0x59: {  	_ =	shalt  }
0x5a: {  	_ =	shalt  }
0x5b: {  	_ =	shalt  }
0x5c: {  	_ =	shalt  }
0x5d: {  	_ =	shalt  }
0x5e: {  	_ =	shalt  }
0x5f: {  	_ =	shalt  }
0x60: {  	_ =	shalt  }
0x61: {  	_ =	shalt  }
0x62: {  	_ =	shalt  }
0x63: {  	_ =	shalt  }
0x64: {  	_ =	shalt  }
0x65: {  	_ =	shalt  }
0x66: {  	_ =	shalt  }
0x67: {  	_ =	shalt  }
0x68: {  	_ =	shalt  }
0x69: {  	_ =	shalt  }
0x6a: {  	_ =	shalt  }
0x6b: {  	_ =	shalt  }
0x6c: {  	_ =	shalt  }
0x6d: {  	_ =	shalt  }
0x6e: {  	_ =	shalt  }
0x6f: {  	_ =	shalt  }
0x70: {  	_ =	shalt  }
0x71: {  	_ =	shalt  }
0x72: {  	_ =	shalt  }
0x73: {  	_ =	shalt  }
0x74: {  	_ =	shalt  }
0x75: {  	_ =	shalt  }
0x76: {  	_ =	shalt  }
0x77: {  	_ =	shalt  }
0x78: {  	_ =	shalt  }
0x79: {  	_ =	shalt  }
0x7a: {  	_ =	shalt  }
0x7b: {  	_ =	shalt  }
0x7c: {  	_ =	shalt  }
0x7d: {  	_ =	shalt  }
0x7e: {  	_ =	shalt  }
0x7f: {  	_ =	shalt  }
0x80: {  	_ =	shalt  }
0x81: {  	_ =	shalt  }
0x82: {  	_ =	shalt  }
0x83: {  	_ =	shalt  }
0x84: {  	_ =	shalt  }
0x85: {  	_ =	shalt  }
0x86: {  	_ =	shalt  }
0x87: {  	_ =	shalt  }
.Lfunc_end0:
.L_simem_size_0:
called_computation_lowered:
.L_overlay_start_0:
0x88: {  	s2 =	sld [smem:$0x3FD9]  }
0x89: {  	s3 =	sld [smem:$0x3FFE];
	_ =	sdelay $0x1  }
0x8a: {  	s1 =	srdreg.scid  }
0x8b: {  	s0 =	sand.u32 $0x1, s1  }
0x8c: {  	s18 =	sshll.u32 s0, $0xA;
	s2 =	sadd.s32 s3, s2  }
0x8d: {  	s2 =	sadd.s32 s2, s18  }
0x8e: {  	[smem:$0x3FC6] =	sst s2  }
0x8f: {  	_ = 	snop  }
0x90: {  	s2 =	sld [smem:$0x3FC9]  }
0x91: {  	s19 =	sld [smem:$0x3FC8]  }
0x92: {  	s4 =	sld [smem:$0x3FD0];
	(tm) =	ssettm $0x1  }
0x93: {  	s5 =	sld [smem:$0x3FFB];
	_ =	sdelay $0x3  }
0x94: {  	_ =	strace s5  }
0x95: {  	s5 =	sld [smem:$0x3FFC];
	_ =	sdelay $0x3  }
0x96: {  	_ =	strace s5  }
0x97: {  	s5 =	sld [smem:$0x3FFD];
	_ =	sdelay $0x3  }
0x98: {  	_ =	strace s5  }
0x99: {  	_ =	strace $0x8FFFFFFF  }
0x9a: {  	s20 =	sld [smem:$0x3FDB];
	_ =	sdelay $0x1  }
0x9b: {  	s6 =	simm.s32 $_scs_section_size  }
0x9c: {  	s7 =	simm.s32 $_size__tile_overlayer_lowered;
	s8 =	simm.s32 $_tile_overlayer_lowered  }
0x9d: {  	s23 =	simm.s32 $0x1BFF;
	s22 =	sshll.u32 s8, $0x1;
	s5 =	sadd.s32 s6, s20  }
0x9e: {  	s9 =	simm.s32 $0x0;
	s21 =	sshll.u32 s7, $0x1;
	s7 =	sadd.s32 s22, s5  }
0x9f: {  	[timem:s9], [sflag:s23] =	dma.local [hbm:s7], s21  }
0xa0: {  	_ =	swait.ge [sflag:s23], s21  }
0xa1: {  	s6 =	ssub.s32 $0x0, s21;
	[sflag:s23] =	ssyncset.done $0x0  }
0xa2: {  	[sflag:s23] =	ssyncadd.s32 s6;
	_ =	sdelay $0x1  }
0xa3: {  	s24 =	simm.s32 $0x1B8B  }
0xa4: {  	_ =	swait.ge [sflag:s24], $0x1  }
0xa5: {  	[sflag:s24] =	ssyncset.done $0x0  }
0xa6: {  	s25 =	simm.s32 $0x1B8E;
	[sflag:s24] =	ssyncadd.s32 $0xFFFFFFFF  }
0xa7: {  	s26 =	simm.s32 $execute0_lowered;
	[smem:$0x3FD2] =	sst s25  }
0xa8: {  	s6 =	sshll.u32 s26, $0x1;
	_ =	strace $0x80000046;
	[dreg:$0x1] =	wrdreg $0xFFFFFFFF  }
0xa9: {  	s28 =	simm.s32 $_size_execute0_lowered;
	s5 =	sadd.s32 s5, s6;
	[dreg:$0x0] =	wrdreg $0x0  }
0xaa: {  	s6 =	sshll.u32 s28, $0x1;
	[dreg:$0x2] =	wrdreg s5  }
0xab: {  	[dreg:$0x3] =	wrdreg s6  }
0xac: {  	[dreg:$0x4] =	wrdreg $0xC0  }
0xad: {  	_ =	task [dreg:s9], $0x5FFFF  }
0xae: {  	[dreg:$0x1] =	wrdreg $0xFFFFFFFF  }
0xaf: {  	[dreg:$0x0] =	wrdreg $0x60  }
0xb0: {  	[dreg:$0x2] =	wrdreg s2  }
0xb1: {  	[dreg:$0x3] =	wrdreg s19  }
0xb2: {  	[dreg:$0x4] =	wrdreg s4  }
0xb3: {  	[dreg:$0x5] =	wrdreg $0x9  }
0xb4: {  	_ =	task.clear_ibuf [dreg:s9], $0x6FFFF;
	_ =	strace $0x90000046  }
0xb5: {  	s29 =	simm.s32 $0x9;
	_ =	strace $0x80000048  }
0xb6: {  	_ =	swait.ge [sflag:s29], $0x1  }
0xb7: {  	[sflag:s29] =	ssyncadd.s32 $0xFFFFFFFF  }
0xb8: {  	_ =	strace $0x90000048  }
0xb9: {  	_ =	sfence  }
0xba: {  	s30 =	sld [smem:$0x0];
	_ =	sdelay $0x2  }
0xbb: {  	s31 =	sshll.u32 s1, $0xD;
	s1 =	sshrl.u32 s1, $0x2  }
0xbc: {  	s3 =	sand.u32 $0x4000, s31;
	s1 =	sadd.s32 s1, s30  }
0xbd: {  	s0 =	sor.u32 s3, s0;
	s1 =	sshll.u32 s1, $0x11  }
0xbe: {  	s0 =	sor.u32 s1, s0  }
0xbf: {  	s0 =	sadd.s32 $0x8F2B, s0  }
0xc0: {  	[sflag:s0] =	ssyncadd.remote.s32 $0x1  }
0xc1: {  	_ =	sfence.sel $0xFFFF  }
0xc2: {  	[dreg:$0x0] =	wrdreg $0xFFFFFFFF;
	(pc) =	sbr.abs _section_cstart, $3  }
0xc3: {  	[dreg:$0x1] =	wrdreg $0xFFFFFFFF  }
0xc4: {  	_ =	task.clear_ibuf [dreg:s9], $0x2FFFF;
	_ =	strace $0x9FFFFFFF  }
0xc5: {  	(tm) =	ssettm $0x7FFFFFFF  }
tec
execute0_lowered:
.L_overlay_start_1:
0x0: {  	(tag) =	ssettag $0x1  }
0x1: {  	s0 =	rddreg [dreg:$0x2];
	s20 =	simm.s32 $0x0;
	s1 =	srdreg.scid  }
0x2: {  	s4 =	stileid.u32;
	[smem:$0x7FF] =	sst s20;
	s1 =	sand.u32 $0x1, s1  }
0x3: {  	s3 =	sshll.u32 s4, $0x1;
	s5 =	sshrl.u32 s4, $0x1;
	s21 =	sand.u32 $0x1, s4  }
0x4: {  	_ =	strace $0x80000047;
	s2 =	ssub.s32 $0x2, s1;
	s3 =	sand.u32 $0x2, s3  }
0x5: {  	s10 =	sor.u32 $0x8, s5;
	[dreg:$0x4] =	wrdreg s5;
	s8 =	sshll.u32 s5, $0xB  }
0x6: {  	s22 =	sshll.u32 s1, $0xA;
	s11 =	sshll.u32 s21, $0xB;
	s25 =	sshll.u32 s21, $0xD  }
0x7: {  	s26 =	sshll.u32 s1, $0xC;
	s29 =	sshll.u32 s21, $0x4;
	s6 =	sshrl.u32 s2, $0x1  }
0x8: {  	s3 =	sor.u32 s1, s3;
	s8 =	sadd.s32 s0, s8;
	[dreg:$0x5] =	wrdreg s10  }
0x9: {  	s15 =	sxor.u32 $0x3, s3;
	s7 =	sshll.u32 s3, $0x3;
	s16 =	sshll.u32 s3, $0xA  }
0xa: {  	s3 =	sshll.u32 s3, $0x9;
	[dreg:$0x6] =	wrdreg s16;
	s17 =	sshll.u32 s15, $0xA  }
0xb: {  	s2 =	ssub.s32 s2, s6;
	s3 =	sadd.s32 s3, s8;
	[dreg:$0x7] =	wrdreg s17  }
0xc: {  	s18 =	sshll.u32 s10, $0xB;
	s23 =	smax.u32 s2, $0x1;
	[dreg:$0x8] =	wrdreg s3  }
0xd: {  	s0 =	sadd.s32 s0, s18;
	s2 =	sor.u32 s26, s25;
	[dreg:$0xa] =	wrdreg s23  }
0xe: {  	s19 =	sshll.u32 s15, $0x9;
	s31 =	sshll.u32 s15, $0xC;
	[dreg:$0xc] =	wrdreg s2  }
.Ltmp0:
0xf: {  	s0 =	sadd.s32 s19, s0;
	[dreg:$0xf] =	wrdreg s31;
	(pc) =	sbr.rel .LBB2_1-.Ltmp0, $4  }
0x10: {  	s24 =	sor.u32 s11, s22;
	s30 =	sor.u32 $0x180, s2;
	[dreg:$0x9] =	wrdreg s0  }
0x11: {  	s1 =	sshll.u32 s1, $0x3;
	s0 =	ssub.s32 $0x0, s24;
	[dreg:$0xe] =	wrdreg s30  }
0x12: {  	s28 =	simm.s32 $0x0;
	[dreg:$0xb] =	wrdreg s0;
	s0 =	sor.u32 s1, s29  }
0x13: {  	v0 =	vimm.f32 $-1.000000000e+00;
	v1 =	vlaneseq.u32;
	s9 =	sshll.u32 s15, $0x3;
	s24 =	simm.s32 $0x4;
	[dreg:$0xd] =	wrdreg s0  }
.LBB2_24:
0x14: {  	v6 =	vor.u32 s10, v1;
	s0 =	sshll.u32 s11, $0x7  }
0x15: {  	vm0 =	vlt.s32 v6, v2;
	v2 =	vor.u32 s0, v6  }
0x16: {  	v4 =	vsel vm0, v4, v5;
	vm15 =	vlt.s32 v2, v3  }
0x17: {  	s31 =	sand.u32 $0xFFFFFFF0, s2;
	v2 =	vnsel vm15, $0xBF800000, v4  }
0x18: {  	[tilespmem:s31+$0x3580] =	vst v2  }
.LBB2_25:
0x19: {  	s0 =	rddreg [dreg:$0x9];
	s1 =	simm.s32 $0x3580  }
0x1a: {  	[hbm4b:s0+s20] =	stream.linear.scatter [tilespmem:s1], [sflag:$0x4], $0x1000, $0x38;
	[tilespmem:$0x4580] =	vst v63  }
0x1b: {  	_ =	swait.ge [sflag:s24], $0x1000  }
0x1c: {  	[sflag:s24] =	ssyncset.done $0x0  }
0x1d: {  	s30 =	simm.s32 $0x3;
	[sflag:s24] =	ssyncadd.s32 $0xFFFFF000  }
0x1e: {  	_ =	swait.ge [sflag:s30], $0x1000  }
0x1f: {  	s28 =	sadd.s32 $0x1, s28;
	s31 =	rddreg [dreg:$0xa]  }
0x20: {  	p0 =	seq.s32 s28, s31  }
.Ltmp1:
0x21: {  	_ = 	snop;
	(pc) =	sbr.rel @p0 .LBB2_26-.Ltmp1, $3  }
0x22: {  	_ =	sdelay $0x1  }
0x23: {  	[sflag:s30] =	ssyncset.done $0x0  }
0x24: {  	[sflag:s30] =	ssyncadd.s32 $0xFFFFF000  }
.LBB2_1:
0x25: {  	s0 =	rddreg [dreg:$0x1]  }
0x26: {  	[tilespmem:s20], [sflag:$0x4] =	stream.linear.gather [hbm4b:s0+s20], $0x11, $0x38;
	[tilespmem:$0x4580] =	vst v63  }
0x27: {  	_ =	swait.ge [sflag:s24], $0x11  }
0x28: {  	[sflag:s24] =	ssyncset.done $0x0  }
0x29: {  	s19 =	rddreg [dreg:$0x4];
	[sflag:s24] =	ssyncadd.s32 $0xFFFFFFEF  }
0x2a: {  	v2 =	vld [tilespmem:s19+$0x0]  }
0x2b: {  	s1 =	rddreg [dreg:$0x5];
	v3 =	vld [tilespmem:s19+$0x1]  }
0x2c: {  	v4 =	vld [tilespmem:s1+$0x0];
	_ =	sdelay $0x2  }
0x2d: {  	(v2sf) =	vpush v2, $0x0  }
0x2e: {  	(v2sf) =	vpush v3, $0x0  }
0x2f: {  	(v2sf) =	vpush v4, $0x0;
	_ =	sdelay $0x8  }
0x30: {  	v2 =	vld [tilespmem:s19+$0x9];
	_ =	sdelay $0x3  }
0x31: {  	s23 =	spop (v2sf)  }
0x32: {  	(v2sf) =	vpush v2, $0x0;
	s11 =	spop (v2sf);
	s21 =	sshra.s32 s23, $0x1F  }
0x33: {  	s0 =	spop (v2sf);
	s1 =	sshrl.u32 s21, $0x19  }
0x34: {  	s1 =	sadd.s32 s1, s23;
	s2 =	sshra.s32 s0, $0x1F  }
0x35: {  	s10 =	sshra.s32 s1, $0x7;
	s2 =	sshrl.u32 s2, $0x19  }
0x36: {  	s5 =	simm.s32 $0x80;
	s3 =	sadd.s32 s7, s10;
	s2 =	sadd.s32 s2, s0  }
0x37: {  	s26 =	rddreg [dreg:$0x6];
	s6 =	sshll.u32 s3, $0x9;
	s14 =	sshra.s32 s2, $0x7  }
0x38: {  	s4 =	rddreg [dreg:$0x0];
	p0 =	slt.s32 s6, $0x1EE00;
	s8 =	sadd.s32 s9, s14  }
0x39: {  	s25 =	ssub.s32 s11, s23;
	s6 =	simm.s32 @!p0 $0x1EE00;
	s29 =	sshll.u32 s8, $0x9  }
0x3a: {  	s8 =	ssub.s32 s25, s26;
	p0 =	slt.s32 s29, $0x1EE00;
	s6 =	sshrl.u32 s6, $0x3  }
0x3b: {  	s29 =	simm.s32 @!p0 $0x1EE00;
	s6 =	sadd.s32 s4, s6;
	p0 =	sgt.s32 s8, $0x380  }
0x3c: {  	[tilespmem:s5], [sflag:$0x1] =	stream.linear.gather [hbm4b:s6+s20], $0x1200, $0x38;
	[tilespmem:$0x4580] =	vst v63  }
.Ltmp2:
0x3d: {  	_ = 	snop;
	(pc) =	sbr.rel @p0 .LBB2_5-.Ltmp2, $4  }
0x3e: {  	s22 =	sshrl.u32 s29, $0x3  }
0x3f: {  	s30 =	simm.s32 $0x1300;
	s31 =	rddreg [dreg:$0xb];
	s6 =	sadd.s32 s4, s22  }
0x40: {  	[tilespmem:s30], [sflag:$0x2] =	stream.linear.gather [hbm4b:s6+s20], $0x1200, $0x38;
	[tilespmem:$0x4580] =	vst v63  }
0x41: {  	s3 =	sadd.s32 s11, s31;
	s6 =	spop (v2sf)  }
0x42: {  	s11 =	ssub.s32 s3, s23  }
0x43: {  	p0 =	sgt.s32 s11, $0x0  }
0x44: {  	s11 =	simm.s32 @!p0 $0x0  }
0x45: {  	s11 =	smin.u32 s11, $0x400  }
0x46: {  	s11 =	sadd.s32 $0x7F, s11  }
0x47: {  	s11 =	sshrl.u32 s11, $0x7  }
0x48: {  	s12 =	sshll.u32 s11, $0x5  }
0x49: {  	s12 =	sadd.s32 $0xFFFFFFFC, s12  }
0x4a: {  	s12 =	sadd.s32 $0x4, s12  }
0x4b: {  	p0 =	slt.u32 s12, $0xFC  }
.Ltmp3:
0x4c: {  	s11 =	sshll.u32 s11, $0x9;
	(pc) =	sbr.rel @!p0 .LBB2_4-.Ltmp3, $4  }
0x4d: {  	s11 =	sadd.s32 $0x25A0, s11  }
0x4e: {  	[tilespmem:s11+$0xFFFFFFE0] =	vst v0  }
0x4f: {  	[tilespmem:s11+$0x10] =	vst v0  }
0x50: {  	[tilespmem:s11+$0x0] =	vst v0  }
.LBB2_3:
0x51: {  	s12 =	sadd.s32 $0x4, s12  }
0x52: {  	[tilespmem:s11+$0xFFFFFFF0] =	vst v0;
	s11 =	sadd.s32 $0x40, s11;
	p0 =	slt.u32 s12, $0xFC  }
.Ltmp4:
0x53: {  	[tilespmem:s11+$0xFFFFFFE0] =	vst v0;
	(pc) =	sbr.rel @p0 .LBB2_3-.Ltmp4, $3  }
0x54: {  	_ =	sdelay $0x1  }
0x55: {  	[tilespmem:s11+$0x10] =	vst v0  }
0x56: {  	[tilespmem:s11+$0x0] =	vst v0  }
.LBB2_4:
0x57: {  	[tilespmem:s11+$0xFFFFFFF0] =	vst v0  }
.LBB2_5:
0x58: {  	s31 =	ssub.s32 s6, s0;
	s4 =	rddreg [dreg:$0x7]  }
0x59: {  	s22 =	ssub.s32 s31, s4  }
0x5a: {  	p0 =	sgt.s32 s22, $0x0;
	s6 =	smov.u32 s22  }
0x5b: {  	s6 =	simm.s32 @!p0 $0x0;
	p0 =	sgt.s32 s22, $0x380  }
.Ltmp5:
0x5c: {  	_ = 	snop;
	(pc) =	sbr.rel @p0 .LBB2_9-.Ltmp5, $3  }
0x5d: {  	_ =	sdelay $0x1  }
0x5e: {  	s21 =	smin.u32 s6, $0x400  }
0x5f: {  	s30 =	sadd.s32 $0x7F, s21  }
0x60: {  	s6 =	sshrl.u32 s30, $0x7  }
0x61: {  	s11 =	sshll.u32 s6, $0x5  }
0x62: {  	s12 =	sadd.s32 $0xFFFFFFFC, s11  }
0x63: {  	s12 =	sadd.s32 $0x4, s12  }
0x64: {  	p0 =	slt.u32 s12, $0xFC  }
.Ltmp6:
0x65: {  	s6 =	sshll.u32 s6, $0x9;
	(pc) =	sbr.rel @!p0 .LBB2_8-.Ltmp6, $4  }
0x66: {  	s11 =	sadd.s32 $0x35B0, s6  }
0x67: {  	[tilespmem:s11+$0x0] =	vst v0  }
0x68: {  	[tilespmem:s11+$0xFFFFFFF0] =	vst v0  }
0x69: {  	s13 =	sand.u32 $0xFC0, s6;
	[tilespmem:s11+$0xFFFFFFE0] =	vst v0  }
.LBB2_7:
0x6a: {  	s12 =	sadd.s32 $0x4, s12  }
0x6b: {  	[tilespmem:s13+$0x3580] =	vst v0;
	s11 =	sadd.s32 $0x40, s11;
	s6 =	sadd.s32 $0x40, s6;
	p0 =	slt.u32 s12, $0xFC  }
.Ltmp7:
0x6c: {  	(pc) =	sbr.rel @p0 .LBB2_7-.Ltmp7, $4  }
0x6d: {  	_ = 	snop  }
0x6e: {  	[tilespmem:s11+$0x0] =	vst v0  }
0x6f: {  	[tilespmem:s11+$0xFFFFFFF0] =	vst v0  }
0x70: {  	s13 =	sand.u32 $0xFC0, s6;
	[tilespmem:s11+$0xFFFFFFE0] =	vst v0  }
.LBB2_8:
0x71: {  	[tilespmem:s13+$0x3580] =	vst v0  }
.LBB2_9:
0x72: {  	p0 =	sgt.s32 s8, $0x0  }
0x73: {  	p1 =	slt.s32 s8, $0x1;
	s8 =	simm.s32 @!p0 $0x0  }
0x74: {  	s8 =	smin.u32 s8, $0x400  }
0x75: {  	s6 =	sand.u32 $0x7F, s8  }
0x76: {  	p6 =	sne.s32 s6, $0x0  }
0x77: {  	p0 =	por !p1, !p6  }
0x78: {  	s6 =	simm.s32 $0x1;
	p1 =	por !p0, !p0  }
0x79: {  	s11 =	sshrl.u32 s8, $0x7;
	s6 =	simm.s32 @!p1 $0x0  }
0x7a: {  	s6 =	ssub.s32 s11, s6  }
0x7b: {  	p0 =	slt.s32 s6, $0x1  }
.Ltmp8:
0x7c: {  	s4 =	simm.s32 $0x1;
	(pc) =	sbr.rel @p0 .LBB2_13-.Ltmp8, $4  }
0x7d: {  	s1 =	sand.u32 $0xFFFFFF80, s1;
	_ =	swait.ge [sflag:s4], $0x1200  }
0x7e: {  	s1 =	ssub.s32 s23, s1;
	[sflag:s4] =	ssyncset.done $0x0  }
0x7f: {  	s19 =	ssub.s32 $0x80, s1;
	s1 =	smul.u32 $0x180, s10;
	s26 =	rddreg [dreg:$0xd]  }
0x80: {  	[sflag:s4] =	ssyncadd.s32 $0xFFFFEE00;
	v2 =	vmov s19;
	s10 =	sadd.s32 s10, s26;
	s15 =	sshll.u32 s6, $0x5  }
0x81: {  	s4 =	simm.s32 @!p1 $0x0;
	[dreg:$0x10] =	wrdreg s2;
	s6 =	sshll.u32 s10, $0x9  }
0x82: {  	s26 =	rddreg [dreg:$0xc];
	s16 =	simm.s32 $0x0;
	s2 =	smov.u32 s14  }
0x83: {  	s17 =	smov.u32 s30;
	s11 =	sadd.s32 s23, s26;
	p0 =	slt.s32 s6, $0x1EE00  }
0x84: {  	s18 =	simm.s32 $0x10;
	s11 =	sadd.s32 s1, s11;
	s6 =	simm.s32 @!p0 $0x1EE00  }
0x85: {  	s24 =	simm.s32 $0x20;
	s13 =	simm.s32 $0x4;
	s12 =	ssub.s32 s11, s6  }
0x86: {  	s30 =	simm.s32 $0x30;
	s4 =	simm.s32 @p1 $0x1;
	s20 =	sadd.s32 $0x0, s12  }
0x87: {  	p1 =	sgt.s32 s15, $0x4;
	s18 =	sand.u32 $0x50, s18;
	s6 =	sadd.s32 $0x30, s20  }
0x88: {  	[smem:$0x7FD] =	sst s4;
	s4 =	sadd.s32 $0x1B0, s20;
	p0 =	slt.s32 s6, $0x1200  }
0x89: {  	s11 =	simm.s32 $0x25A0;
	s6 =	simm.s32 @!p0 $0x1200;
	p0 =	slt.s32 s4, $0x1200  }
0x8a: {  	s26 =	sadd.s32 $0x180, s20;
	s5 =	sadd.s32 $0x10, s20;
	s4 =	simm.s32 @!p0 $0x1200;
	v5 =	vld [tilespmem:s6+$0x80]  }
0x8b: {  	s19 =	sadd.s32 $0x190, s20;
	s14 =	sadd.s32 $0x20, s20;
	p5 =	slt.s32 s20, $0x1200;
	v6 =	vld [tilespmem:s4+$0x80]  }
0x8c: {  	p2 =	slt.s32 s5, $0x1200;
	p3 =	slt.s32 s19, $0x1200;
	p4 =	slt.s32 s14, $0x1200  }
.Ltmp9:
0x8d: {  	p0 =	slt.s32 s26, $0x1200;
	s4 =	sand.u32 $0x70, s30;
	(pc) =	sbr.rel @!p1 .LBB2_12-.Ltmp9, $4  }
0x8e: {  	s5 =	simm.s32 @!p2 $0x1200;
	s19 =	simm.s32 @!p3 $0x1200;
	s26 =	simm.s32 @!p0 $0x1200;
	v4 =	vor.u32 s4, v1  }
0x8f: {  	s14 =	simm.s32 @!p4 $0x1200;
	s6 =	sadd.s32 $0x1A0, s20;
	s30 =	sand.u32 $0x60, s24;
	v3 =	vld [tilespmem:s26+$0x80];
	vm0 =	vlt.s32 v4, v2  }
0x90: {  	v7 =	vor.u32 s18, v1;
	s20 =	simm.s32 @!p5 $0x1200;
	p0 =	slt.s32 s6, $0x1200;
	s24 =	sand.u32 $0x40, s16;
	v8 =	vor.u32 s30, v1;
	v4 =	vld [tilespmem:s5+$0x80];
	v6 =	vsel vm0, v5, v6  }
0x91: {  	vm1 =	vlt.s32 v7, v2;
	s16 =	simm.s32 $0x40;
	s18 =	smov.u32 s20;
	s6 =	simm.s32 @!p0 $0x1200;
	v5 =	vld [tilespmem:s19+$0x80];
	vm0 =	vlt.s32 v8, v2;
	[tilespmem:s11+$0x10] =	vst v6  }
.LBB2_11:
0x92: {  	s18 =	sadd.s32 s16, s12  }
0x93: {  	s4 =	sadd.s32 $0x10, s16;
	s5 =	sadd.s32 $0x20, s16;
	v6 =	vor.u32 s24, v1;
	v7 =	vld [tilespmem:s14+$0x80];
	s13 =	sadd.s32 $0x4, s13  }
0x94: {  	s19 =	sadd.s32 $0x180, s18;
	s24 =	sadd.s32 $0x30, s18;
	vm2 =	vlt.s32 v6, v2;
	v6 =	vld [tilespmem:s6+$0x80];
	s26 =	sadd.s32 $0x1B0, s18  }
0x95: {  	p1 =	slt.s32 s13, s15;
	s30 =	sadd.s32 $0x190, s18;
	p0 =	slt.s32 s24, $0x1200;
	v8 =	vld [tilespmem:s20+$0x80]  }
0x96: {  	s20 =	sadd.s32 $0x10, s18;
	s24 =	simm.s32 @!p0 $0x1200;
	p0 =	slt.s32 s26, $0x1200  }
0x97: {  	s14 =	sadd.s32 $0x20, s18;
	s6 =	sadd.s32 $0x1A0, s18;
	s26 =	simm.s32 @!p0 $0x1200;
	v9 =	vld [tilespmem:s24+$0x80];
	v4 =	vsel vm1, v4, v5  }
0x98: {  	p3 =	slt.s32 s18, $0x1200;
	p6 =	slt.s32 s19, $0x1200;
	p0 =	slt.s32 s20, $0x1200;
	v5 =	vld [tilespmem:s26+$0x80];
	[tilespmem:s11+$0xFFFFFFF0] =	vst v4  }
0x99: {  	p5 =	slt.s32 s30, $0x1200;
	p4 =	slt.s32 s14, $0x1200;
	s24 =	sadd.s32 $0x30, s16;
	v4 =	vsel vm0, v7, v6  }
.Ltmp10:
0x9a: {  	p2 =	slt.s32 s6, $0x1200;
	s24 =	sand.u32 $0x70, s24;
	v3 =	vsel vm2, v8, v3;
	[tilespmem:s11+$0x0] =	vst v4;
	(pc) =	sbr.rel @p1 .LBB2_11-.Ltmp10, $4  }
0x9b: {  	s4 =	sand.u32 $0x50, s4;
	s19 =	simm.s32 @!p6 $0x1200;
	s20 =	simm.s32 @!p0 $0x1200;
	v4 =	vor.u32 s24, v1;
	[tilespmem:s11+$0xFFFFFFE0] =	vst v3  }
0x9c: {  	s30 =	simm.s32 @!p5 $0x1200;
	s14 =	simm.s32 @!p4 $0x1200;
	v6 =	vor.u32 s4, v1;
	s4 =	sand.u32 $0x60, s5;
	vm0 =	vlt.s32 v4, v2;
	v3 =	vld [tilespmem:s19+$0x80]  }
0x9d: {  	s18 =	simm.s32 @!p3 $0x1200;
	s6 =	simm.s32 @!p2 $0x1200;
	vm1 =	vlt.s32 v6, v2;
	v6 =	vor.u32 s4, v1;
	s11 =	sadd.s32 $0x40, s11;
	v4 =	vld [tilespmem:s20+$0x80];
	v7 =	vsel vm0, v9, v5  }
0x9e: {  	s24 =	sand.u32 $0x40, s16;
	s16 =	sadd.s32 $0x40, s16;
	vm0 =	vlt.s32 v6, v2;
	s20 =	smov.u32 s18;
	v5 =	vld [tilespmem:s30+$0x80];
	[tilespmem:s11+$0x10] =	vst v7  }
.LBB2_12:
0x9f: {  	v6 =	vld [tilespmem:s14+$0x80]  }
0xa0: {  	v7 =	vld [tilespmem:s6+$0x80]  }
0xa1: {  	v8 =	vld [tilespmem:s18+$0x80];
	_ =	sdelay $0x2  }
0xa2: {  	v9 =	vor.u32 s24, v1;
	v4 =	vsel vm1, v4, v5  }
0xa3: {  	vm15 =	vlt.s32 v9, v2;
	[tilespmem:s11+$0xFFFFFFF0] =	vst v4;
	v63 =	vsel vm0, v6, v7  }
0xa4: {  	v3 =	vsel vm15, v8, v3;
	[tilespmem:s11+$0x0] =	vst v63  }
0xa5: {  	[tilespmem:s11+$0xFFFFFFE0] =	vst v3  }
0xa6: {  	s4 =	sld [smem:$0x7FD];
	_ =	sdelay $0x1  }
0xa7: {  	s20 =	simm.s32 $0x0;
	s24 =	simm.s32 $0x4;
	s30 =	smov.u32 s17  }
0xa8: {  	s14 =	smov.u32 s2;
	s2 =	rddreg [dreg:$0x10];
	p1 =	seq.s32 s4, $0x1  }
.LBB2_13:
0xa9: {  	s6 =	sadd.s32 $0x7F, s8  }
0xaa: {  	s6 =	sshrl.u32 s6, $0x2  }
0xab: {  	s8 =	sand.u32 $0x3E0, s6  }
0xac: {  	p0 =	slt.s32 s15, s8  }
.Ltmp11:
0xad: {  	_ = 	snop;
	(pc) =	sbr.rel @!p0 .LBB2_17-.Ltmp11, $1  }
0xae: {  	_ =	sdelay $0x3  }
0xaf: {  	s4 =	ssub.s32 s3, s23  }
0xb0: {  	s5 =	simm.s32 $0xFFFFFFFF;
	p0 =	sgt.s32 s4, $0x0  }
0xb1: {  	s19 =	rddreg [dreg:$0xe];
	s6 =	sshll.u32 s10, $0x9;
	s4 =	simm.s32 @!p0 $0x0  }
0xb2: {  	v3 =	vmov s25;
	p6 =	slt.s32 s15, $0x1;
	s25 =	sand.u32 $0x1F, s15;
	s4 =	smin.u32 s4, $0x400  }
0xb3: {  	s10 =	sadd.s32 $0x1, s15;
	s5 =	simm.s32 @!p1 $0x0;
	s4 =	sshrl.u32 s4, $0x7  }
0xb4: {  	s13 =	simm.s32 $0x1;
	p2 =	sne.s32 s25, $0x0;
	s4 =	sadd.s32 s5, s4  }
0xb5: {  	p0 =	slt.s32 s6, $0x1EE00;
	s5 =	sadd.s32 s23, s19;
	s11 =	sshll.u32 s4, $0x9  }
0xb6: {  	s6 =	simm.s32 @!p0 $0x1EE00;
	s4 =	sshll.u32 s4, $0xB;
	s5 =	sadd.s32 s11, s5  }
0xb7: {  	p0 =	por !p6, !p2;
	s4 =	sshra.s32 s4, $0x2;
	s5 =	sadd.s32 s1, s5  }
0xb8: {  	s23 =	sshra.s32 s15, $0x1F;
	s1 =	sadd.s32 $0x2580, s4;
	s6 =	ssub.s32 s5, s6  }
0xb9: {  	s4 =	sshrl.u32 s23, $0x1B;
	p1 =	slt.s32 s6, $0x1200;
	s12 =	smov.u32 s6  }
0xba: {  	s5 =	sadd.s32 $0xFFFFFE80, s6;
	s12 =	simm.s32 @!p1 $0x1200;
	p1 =	slt.s32 s10, s8  }
.Ltmp12:
0xbb: {  	s4 =	sadd.s32 s4, s15;
	p3 =	slt.s32 s5, $0x1200;
	(pc) =	sbr.rel @!p1 .LBB2_16-.Ltmp12, $4  }
0xbc: {  	p0 =	por !p0, !p0;
	s4 =	sshrl.u32 s4, $0x5;
	s5 =	simm.s32 @!p3 $0x1200;
	v4 =	vld [tilespmem:s12+$0x80]  }
0xbd: {  	s13 =	simm.s32 @!p0 $0x0;
	s4 =	sadd.s32 s7, s4;
	v5 =	vld [tilespmem:s5+$0x80]  }
0xbe: {  	s26 =	sand.u32 $0x70, s11;
	s4 =	ssub.s32 s4, s13  }
0xbf: {  	v6 =	vor.u32 s26, v1;
	s12 =	sshll.u32 s4, $0x7  }
.LBB2_15:
0xc0: {  	s4 =	sshra.s32 s10, $0x1F;
	p0 =	slt.s32 s10, $0x1;
	s6 =	sadd.s32 $0x10, s6  }
0xc1: {  	vm0 =	vlt.s32 v6, v2;
	v6 =	vor.u32 s12, v6;
	s5 =	smov.u32 s10;
	s13 =	sand.u32 $0x1F, s10;
	s10 =	sadd.s32 $0x1, s10  }
0xc2: {  	s12 =	sadd.s32 $0xFFFFFE80, s6;
	p1 =	slt.s32 s6, $0x1200;
	v4 =	vsel vm0, v5, v4;
	vm0 =	vlt.s32 v6, v3;
	s4 =	sshrl.u32 s4, $0x1B  }
0xc3: {  	p2 =	sne.s32 s13, $0x0;
	s13 =	smov.u32 s6;
	v4 =	vnsel vm0, $0xBF800000, v4;
	p3 =	slt.s32 s12, $0x1200  }
0xc4: {  	s13 =	simm.s32 @!p1 $0x1200;
	p1 =	slt.s32 s10, s8;
	s4 =	sadd.s32 s4, s5;
	[tilespmem:s1+$0x0] =	vst v4  }
.Ltmp13:
0xc5: {  	p0 =	por !p0, !p2;
	s12 =	simm.s32 @!p3 $0x1200;
	v4 =	vld [tilespmem:s13+$0x80];
	(pc) =	sbr.rel @p1 .LBB2_15-.Ltmp13, $4  }
0xc6: {  	s5 =	simm.s32 $0x1;
	s4 =	sshrl.u32 s4, $0x5;
	p0 =	por !p0, !p0;
	v5 =	vld [tilespmem:s12+$0x80]  }
0xc7: {  	s11 =	sadd.s32 $0x10, s11;
	s4 =	sadd.s32 s7, s4;
	s5 =	simm.s32 @!p0 $0x0  }
0xc8: {  	s12 =	sand.u32 $0x70, s11;
	s4 =	ssub.s32 s4, s5  }
0xc9: {  	s1 =	sadd.s32 $0x10, s1;
	v6 =	vor.u32 s12, v1;
	s12 =	sshll.u32 s4, $0x7  }
.LBB2_16:
0xca: {  	_ = 	snop  }
0xcb: {  	vm0 =	vlt.s32 v6, v2;
	v2 =	vor.u32 s12, v6  }
0xcc: {  	vm15 =	vlt.s32 v2, v3;
	v4 =	vsel vm0, v5, v4  }
0xcd: {  	v2 =	vnsel vm15, $0xBF800000, v4  }
0xce: {  	[tilespmem:s1+$0x0] =	vst v2  }
.LBB2_17:
0xcf: {  	s1 =	sand.u32 $0x7F, s21;
	p0 =	slt.s32 s22, $0x1  }
0xd0: {  	s4 =	rddreg [dreg:$0x8];
	s5 =	simm.s32 $0x2580;
	p1 =	sne.s32 s1, $0x0  }
0xd1: {  	[hbm4b:s4+s20] =	stream.linear.scatter [tilespmem:s5], [sflag:$0x3], $0x1000, $0x38;
	[tilespmem:$0x4580] =	vst v63  }
0xd2: {  	p0 =	por !p0, !p1  }
0xd3: {  	s1 =	simm.s32 $0x1;
	p1 =	por !p0, !p0  }
0xd4: {  	s15 =	sshrl.u32 s21, $0x7;
	s1 =	simm.s32 @!p1 $0x0  }
0xd5: {  	s1 =	ssub.s32 s15, s1  }
0xd6: {  	p0 =	sgt.s32 s1, $0x0  }
.Ltmp14:
0xd7: {  	s25 =	simm.s32 $0x2;
	(pc) =	sbr.rel @!p0 .LBB2_21-.Ltmp14, $4  }
0xd8: {  	s2 =	sand.u32 $0xFFFFFF80, s2;
	_ =	swait.ge [sflag:s25], $0x1200  }
0xd9: {  	s23 =	ssub.s32 s0, s2;
	[sflag:s25] =	ssyncset.done $0x0  }
0xda: {  	s4 =	ssub.s32 $0x80, s23;
	s26 =	rddreg [dreg:$0xf];
	[sflag:s25] =	ssyncadd.s32 $0xFFFFEE00  }
0xdb: {  	v2 =	vmov s4;
	s2 =	sshll.u32 s1, $0x5;
	s1 =	sadd.s32 s0, s26;
	s0 =	smul.u32 $0x180, s14  }
0xdc: {  	s3 =	simm.s32 @!p1 $0x0;
	s6 =	simm.s32 $0x0;
	s4 =	simm.s32 $0x10  }
0xdd: {  	s5 =	simm.s32 $0x20;
	s3 =	simm.s32 @p1 $0x1;
	s25 =	sadd.s32 s0, s1  }
0xde: {  	s8 =	simm.s32 $0x4;
	[smem:$0x7FC] =	sst s3;
	s3 =	ssub.s32 s25, s29  }
0xdf: {  	s26 =	simm.s32 $0x30;
	p1 =	sgt.s32 s2, $0x4;
	s12 =	sadd.s32 $0x0, s3  }
0xe0: {  	s18 =	sand.u32 $0xFFFFFF80, s6;
	s6 =	sand.u32 $0x40, s6;
	s10 =	sadd.s32 $0x30, s12  }
0xe1: {  	s4 =	sand.u32 $0x50, s4;
	s13 =	sadd.s32 $0x1B0, s12;
	p0 =	slt.s32 s10, $0x1200  }
0xe2: {  	s5 =	sand.u32 $0x60, s5;
	s10 =	simm.s32 @!p0 $0x1200;
	p0 =	slt.s32 s13, $0x1200  }
0xe3: {  	s18 =	sadd.s32 $0x3580, s18;
	s11 =	sadd.s32 $0x180, s12;
	s13 =	simm.s32 @!p0 $0x1200;
	v5 =	vld [tilespmem:s10+$0x1300]  }
0xe4: {  	s14 =	sadd.s32 $0x10, s12;
	s16 =	sadd.s32 $0x190, s12;
	s17 =	sadd.s32 $0x20, s12;
	v6 =	vld [tilespmem:s13+$0x1300]  }
0xe5: {  	p6 =	slt.s32 s12, $0x1200;
	p3 =	slt.s32 s14, $0x1200;
	p0 =	slt.s32 s11, $0x1200  }
0xe6: {  	p4 =	slt.s32 s16, $0x1200;
	s13 =	sand.u32 $0x70, s26;
	s11 =	simm.s32 @!p0 $0x1200  }
.Ltmp15:
0xe7: {  	s14 =	simm.s32 @!p3 $0x1200;
	s10 =	sadd.s32 $0x1A0, s12;
	v4 =	vor.u32 s13, v1;
	v3 =	vld [tilespmem:s11+$0x1300];
	(pc) =	sbr.rel @!p1 .LBB2_20-.Ltmp15, $4  }
0xe8: {  	p5 =	slt.s32 s17, $0x1200;
	s16 =	simm.s32 @!p4 $0x1200;
	p2 =	slt.s32 s10, $0x1200;
	vm0 =	vlt.s32 v4, v2;
	v4 =	vld [tilespmem:s14+$0x1300]  }
0xe9: {  	s17 =	simm.s32 @!p5 $0x1200;
	s12 =	simm.s32 @!p6 $0x1200;
	s10 =	simm.s32 @!p2 $0x1200;
	v7 =	vsel vm0, v5, v6;
	v5 =	vld [tilespmem:s16+$0x1300]  }
0xea: {  	v8 =	vor.u32 s6, v1;
	v9 =	vor.u32 s4, v1;
	v10 =	vor.u32 s5, v1;
	s13 =	sor.u32 s13, s18;
	s11 =	sor.u32 s6, s18;
	s6 =	simm.s32 $0x40;
	v6 =	vld [tilespmem:s17+$0x1300]  }
0xeb: {  	vm2 =	vlt.s32 v9, v2;
	vm1 =	vlt.s32 v10, v2;
	s14 =	sor.u32 s4, s18;
	vm0 =	vlt.s32 v8, v2;
	[tilespmem:s13+$0x0] =	vst v7;
	s13 =	sor.u32 s5, s18;
	v7 =	vld [tilespmem:s10+$0x1300];
	s10 =	smov.u32 s12  }
.LBB2_19:
0xec: {  	s10 =	sadd.s32 s6, s3  }
0xed: {  	s4 =	sadd.s32 $0x10, s6;
	s5 =	sadd.s32 $0x20, s6;
	v8 =	vld [tilespmem:s12+$0x1300];
	s8 =	sadd.s32 $0x4, s8  }
0xee: {  	s12 =	sadd.s32 $0x180, s10;
	s16 =	sadd.s32 $0x30, s10;
	s17 =	sadd.s32 $0x1B0, s10  }
0xef: {  	p1 =	slt.s32 s8, s2;
	s18 =	sadd.s32 $0x10, s10;
	p0 =	slt.s32 s16, $0x1200;
	v4 =	vsel vm2, v4, v5  }
0xf0: {  	s19 =	sadd.s32 $0x20, s10;
	s16 =	simm.s32 @!p0 $0x1200;
	p0 =	slt.s32 s17, $0x1200;
	[tilespmem:s14+$0x0] =	vst v4  }
0xf1: {  	p3 =	slt.s32 s12, $0x1200;
	s14 =	sadd.s32 $0x190, s10;
	s17 =	simm.s32 @!p0 $0x1200;
	v5 =	vld [tilespmem:s16+$0x1300];
	v4 =	vsel vm1, v6, v7  }
0xf2: {  	p2 =	slt.s32 s18, $0x1200;
	p5 =	slt.s32 s19, $0x1200;
	s16 =	sadd.s32 $0x1A0, s10;
	v6 =	vld [tilespmem:s17+$0x1300];
	v3 =	vsel vm0, v8, v3;
	[tilespmem:s13+$0x0] =	vst v4  }
0xf3: {  	s12 =	simm.s32 @!p3 $0x1200;
	p4 =	slt.s32 s14, $0x1200;
	s13 =	sadd.s32 $0x30, s6;
	[tilespmem:s11+$0x0] =	vst v3  }
0xf4: {  	p0 =	slt.s32 s10, $0x1200;
	p6 =	slt.s32 s16, $0x1200;
	s11 =	sand.u32 $0x70, s13  }
0xf5: {  	s18 =	simm.s32 @!p2 $0x1200;
	s19 =	simm.s32 @!p5 $0x1200;
	s13 =	sand.u32 $0xFFFFFF80, s6;
	v4 =	vor.u32 s11, v1  }
.Ltmp16:
0xf6: {  	s14 =	simm.s32 @!p4 $0x1200;
	vm0 =	vlt.s32 v4, v2;
	v3 =	vld [tilespmem:s12+$0x1300];
	s12 =	sadd.s32 $0x3580, s13;
	(pc) =	sbr.rel @p1 .LBB2_19-.Ltmp16, $4  }
0xf7: {  	s10 =	simm.s32 @!p0 $0x1200;
	s16 =	simm.s32 @!p6 $0x1200;
	v4 =	vld [tilespmem:s18+$0x1300];
	v6 =	vsel vm0, v5, v6;
	s11 =	sor.u32 s11, s12  }
0xf8: {  	s4 =	sand.u32 $0x50, s4;
	s5 =	sand.u32 $0x60, s5;
	s13 =	sand.u32 $0x40, s6;
	v5 =	vld [tilespmem:s14+$0x1300];
	[tilespmem:s11+$0x0] =	vst v6  }
0xf9: {  	v9 =	vor.u32 s5, v1;
	v8 =	vor.u32 s4, v1;
	v7 =	vor.u32 s13, v1;
	s11 =	sor.u32 s13, s12;
	s14 =	sor.u32 s4, s12;
	s13 =	sor.u32 s5, s12;
	v6 =	vld [tilespmem:s19+$0x1300]  }
0xfa: {  	vm1 =	vlt.s32 v9, v2;
	vm2 =	vlt.s32 v8, v2;
	s6 =	sadd.s32 $0x40, s6;
	vm0 =	vlt.s32 v7, v2;
	s12 =	smov.u32 s10;
	v7 =	vld [tilespmem:s16+$0x1300]  }
.LBB2_20:
0xfb: {  	v8 =	vld [tilespmem:s10+$0x1300];
	_ =	sdelay $0x2  }
0xfc: {  	v4 =	vsel vm2, v4, v5  }
0xfd: {  	[tilespmem:s14+$0x0] =	vst v4;
	v63 =	vsel vm1, v6, v7  }
0xfe: {  	v3 =	vsel vm0, v8, v3;
	[tilespmem:s13+$0x0] =	vst v63  }
0xff: {  	[tilespmem:s11+$0x0] =	vst v3  }
0x100: {  	s3 =	sld [smem:$0x7FC];
	_ =	sdelay $0x2  }
0x101: {  	p1 =	seq.s32 s3, $0x1  }
.LBB2_21:
0x102: {  	s3 =	sshrl.u32 s30, $0x2  }
0x103: {  	s3 =	sand.u32 $0x3E0, s3  }
0x104: {  	p0 =	slt.s32 s2, s3  }
.Ltmp17:
0x105: {  	_ = 	snop;
	(pc) =	sbr.rel @!p0 .LBB2_25-.Ltmp17, $1  }
0x106: {  	_ =	sdelay $0x3  }
0x107: {  	s4 =	simm.s32 $0xFFFFFFFF  }
0x108: {  	s4 =	simm.s32 @!p1 $0x0  }
0x109: {  	s5 =	sadd.s32 s4, s15  }
0x10a: {  	s26 =	sshll.u32 s15, $0x9;
	s5 =	sshll.u32 s5, $0x9  }
0x10b: {  	p6 =	slt.s32 s2, $0x1;
	s8 =	sadd.s32 $0x1, s2;
	s1 =	sadd.s32 s5, s1  }
0x10c: {  	s30 =	sand.u32 $0x1F, s2;
	p0 =	seq.s32 s3, s8;
	s1 =	sadd.s32 s0, s1  }
0x10d: {  	p3 =	sne.s32 s30, $0x0;
	s4 =	sshll.u32 s4, $0x9;
	s1 =	ssub.s32 s1, s29  }
0x10e: {  	s0 =	sadd.s32 s4, s26;
	s29 =	sshra.s32 s2, $0x1F;
	s10 =	sadd.s32 $0x0, s1  }
0x10f: {  	s4 =	sshrl.u32 s29, $0x1B;
	p2 =	slt.s32 s10, $0x1200;
	s11 =	sadd.s32 $0x180, s10  }
.Ltmp18:
0x110: {  	s10 =	simm.s32 @!p2 $0x1200;
	p2 =	slt.s32 s11, $0x1200;
	(pc) =	sbr.rel @p0 .LBB2_24-.Ltmp18, $4  }
0x111: {  	v3 =	vmov s31;
	p1 =	por !p6, !p3;
	s31 =	sadd.s32 s4, s2;
	s11 =	simm.s32 @!p2 $0x1200;
	v4 =	vld [tilespmem:s10+$0x1300]  }
0x112: {  	p1 =	por !p1, !p1;
	s5 =	simm.s32 $0x1;
	s4 =	sshrl.u32 s31, $0x5;
	v5 =	vld [tilespmem:s11+$0x1300]  }
0x113: {  	s5 =	simm.s32 @!p1 $0x0;
	s2 =	sadd.s32 $0x0, s0;
	s4 =	sadd.s32 s9, s4  }
0x114: {  	s6 =	simm.s32 $0x0;
	s10 =	sand.u32 $0x70, s2;
	s11 =	ssub.s32 s4, s5  }
.LBB2_23:
0x115: {  	s4 =	sshra.s32 s8, $0x1F;
	s5 =	sshll.u32 s11, $0x7  }
0x116: {  	v6 =	vor.u32 s10, v1;
	s6 =	sadd.s32 $0x10, s6;
	s10 =	smov.u32 s8;
	p0 =	slt.s32 s8, $0x1  }
0x117: {  	s11 =	sand.u32 $0x1F, s8;
	s8 =	sadd.s32 $0x1, s8;
	s4 =	sshrl.u32 s4, $0x1B;
	vm0 =	vlt.s32 v6, v2;
	v6 =	vor.u32 s5, v6  }
0x118: {  	s2 =	sand.u32 $0xFFFFFFF0, s2;
	s5 =	sadd.s32 s6, s1;
	p1 =	seq.s32 s3, s8;
	v4 =	vsel vm0, v4, v5;
	vm0 =	vlt.s32 v6, v3  }
0x119: {  	p3 =	sne.s32 s11, $0x0;
	p2 =	slt.s32 s5, $0x1200;
	s12 =	sadd.s32 $0x180, s5;
	v4 =	vnsel vm0, $0xBF800000, v4  }
.Ltmp19:
0x11a: {  	s5 =	simm.s32 @!p2 $0x1200;
	p2 =	slt.s32 s12, $0x1200;
	[tilespmem:s2+$0x3580] =	vst v4;
	(pc) =	sbr.rel @!p1 .LBB2_23-.Ltmp19, $4  }
0x11b: {  	p0 =	por !p0, !p3;
	s12 =	simm.s32 @!p2 $0x1200;
	s2 =	sadd.s32 s4, s10;
	v4 =	vld [tilespmem:s5+$0x1300]  }
0x11c: {  	p0 =	por !p0, !p0;
	s4 =	sshrl.u32 s2, $0x5;
	s5 =	simm.s32 $0x1;
	v5 =	vld [tilespmem:s12+$0x1300]  }
0x11d: {  	s2 =	sadd.s32 s6, s0;
	s4 =	sadd.s32 s9, s4;
	s5 =	simm.s32 @!p0 $0x0  }
0x11e: {  	s10 =	sand.u32 $0x70, s2;
	s11 =	ssub.s32 s4, s5  }
.Ltmp20:
0x11f: {  	_ = 	snop;
	(pc) =	sbr.rel .LBB2_24-.Ltmp20, $1  }
0x120: {  	_ =	sdelay $0x3  }
.LBB2_26:
0x121: {  	_ =	sfence.sel $0x180000  }
0x122: {  	[bflag:$0x0] =	sbarrier.arrive $0xFFFF  }
0x123: {  	_ =	strace $0x90000047  }
0x124: {  	s0 =	stileid.u32;
	[bflag:$0x2] =	sbarrier.arrive $0xFFFF  }
0x125: {  	p0 =	sne.s32 s0, $0x0;
	s0 =	rddreg [dreg:$0x3]  }
0x126: {  	s0 =	sadd.s32 @!p0 $0x100000, s0  }
0x127: {  	[sflag:s0] =	ssyncadd.tile.s32 @!p0 $0x1;
	_ =	shalt  }
.Lfunc_end2:
_tile_overlayer_lowered:
.L_overlay_start_2:
0x128: {  	(tag) =	ssettag $0x2  }
0x129: {  	s0 =	rddreg [dreg:$0x0];
	s2 =	stileid.u32  }
0x12a: {  	s1 =	rddreg [dreg:$0x1];
	p0 =	sne.s32 s2, $0x0  }
0x12b: {  	s3 =	rddreg [dreg:$0x2];
	[bflag:$0x3] =	sbarrier.arrive $0xFFFF;
	s2 =	simm.s32 @!p0 $0x1C04  }
0x12c: {  	[timem:s3], [sflag:s2] =	dma.local @!p0 [hbm:s0], s1  }
0x12d: {  	s0 =	simm.s32 @!p0 $0x4  }
0x12e: {  	_ =	swait.ge @!p0 [sflag:s0], s1  }
0x12f: {  	s1 =	ssub.s32 @!p0 $0x0, s1;
	[sflag:s0] =	ssyncset.done @!p0 $0x0  }
0x130: {  	[sflag:s0] =	ssyncadd.s32 @!p0 s1  }
0x131: {  	[bflag:$0x3] =	sbarrier.arrive $0xFFFF  }
0x132: {  	_ =	shalt  }

</sc_bundles>
